<compile_context>
chip_gen: v7x
topology: tpu7x:2x2x1
jax: 0.10.2.dev20260603
libtpu: 0.0.44.dev20260713+nightly
codegen_flags: <defaults>
</compile_context>

<pallas_src>
import functools

import jax
import jax.numpy as jnp
from jax import lax
from jax.experimental import pallas as pl
from jax.experimental.pallas import tpu as pltpu
from jax.experimental.pallas import tpu_sc as plsc

N = 8192
DIM = 4096
K = 3

BLK = 512
GRID_F = N // BLK
SUB = BLK // 128
NROWS128 = N // 128

LANES = 16
NSUB = 16
NPT = N // NSUB
NCHUNK = NPT // LANES
GPAD = 16


def _norms_body(h_blk, out_ref):
    i = pl.program_id(0)
    x = h_blk[...]
    s = jnp.sum(x * x, axis=1)
    out_ref[pl.ds(i * SUB, SUB), :] = s.reshape(SUB, 128)


def _local_top3(nv, gbase, lane):
    vals, gidxs = [], []
    excl = []

    for _ in range(K):
        def step(c, carry):
            rm, ri = carry
            x = nv[pl.ds(c * LANES, LANES)]
            gi = gbase + c * LANES + lane
            for e in excl:
                x = jnp.where(gi == e, jnp.float32(-1.0), x)
            upd = x > rm
            return jnp.where(upd, x, rm), jnp.where(upd, gi, ri)

        rm, ri = lax.fori_loop(
            0, NCHUNK, step,
            (jnp.full((LANES,), -1.0, jnp.float32),
             jnp.zeros((LANES,), jnp.int32)))
        m = jnp.max(rm)
        big = jnp.int32(2**31 - 1)
        ik = jnp.min(jnp.where((rm == m) & (m > -1.0), ri, big))
        vals.append(m)
        gidxs.append(ik)
        excl = gidxs
    return vals, gidxs


def _sc_select_body(norms_hbm, tokens_hbm, hid_hbm,
                    anchors_hbm, meta_hbm,
                    nv, tokv, vals_sh, idxs_sh,
                    cand_v, cand_i, idx8, rows_v, outmeta, sem):
    sid = lax.axis_index("s")
    cid = lax.axis_index("c")
    lane = lax.iota(jnp.int32, LANES)

    pltpu.sync_copy(norms_hbm.at[pl.ds(sid * NPT, NPT)], nv)
    vals, gidxs = _local_top3(nv, sid * NPT, lane)

    vvec = jnp.where(lane == 0, vals[0],
                     jnp.where(lane == 1, vals[1],
                               jnp.where(lane == 2, vals[2], -1.0)))
    ivec = jnp.where(lane == 0, gidxs[0],
                     jnp.where(lane == 1, gidxs[1],
                               jnp.where(lane == 2, gidxs[2], 0)))
    nv[pl.ds(0, LANES)] = vvec
    pltpu.sync_copy(nv.at[pl.ds(0, LANES)],
                    vals_sh.at[pl.ds(sid * LANES, LANES)])
    nv[pl.ds(0, LANES)] = plsc.bitcast(ivec, jnp.float32)
    pltpu.sync_copy(nv.at[pl.ds(0, LANES)],
                    idxs_sh.at[pl.ds(sid * LANES, LANES)])
    plsc.subcore_barrier()

    @pl.when((sid == 0) & (cid == 0))
    def _():
        pltpu.sync_copy(vals_sh, cand_v)
        pltpu.sync_copy(idxs_sh, cand_i)

        big = jnp.int32(2**31 - 1)
        sel = []
        excl = []
        for _ in range(K):
            def step(c, carry):
                rm, ri = carry
                x = cand_v[pl.ds(c * LANES, LANES)]
                gi = plsc.bitcast(cand_i[pl.ds(c * LANES, LANES)], jnp.int32)
                for e in excl:
                    x = jnp.where(gi == e, jnp.float32(-1.0), x)
                upd = x > rm
                return jnp.where(upd, x, rm), jnp.where(upd, gi, ri)

            rm, ri = lax.fori_loop(
                0, NSUB, step,
                (jnp.full((LANES,), -1.0, jnp.float32),
                 jnp.zeros((LANES,), jnp.int32)))
            m = jnp.max(rm)
            cand_all = jnp.where(rm == m, ri, big)
            def tie_step(c, best):
                x = cand_v[pl.ds(c * LANES, LANES)]
                gi = plsc.bitcast(cand_i[pl.ds(c * LANES, LANES)], jnp.int32)
                for e in excl:
                    x = jnp.where(gi == e, jnp.float32(-1.0), x)
                hit = jnp.where(x == m, gi, big)
                return jnp.minimum(best, jnp.min(hit))
            ik = lax.fori_loop(0, NSUB, tie_step, jnp.min(cand_all))
            sel.append(ik)
            excl = sel

        pltpu.sync_copy(tokens_hbm, tokv)
        tidx = jnp.where(lane == 0, sel[0],
                         jnp.where(lane == 1, sel[1],
                                   jnp.where(lane == 2, sel[2], 0)))
        tsel = plsc.load_gather(tokv, [tidx])
        outmeta[pl.ds(0, LANES)] = tsel
        pltpu.sync_copy(outmeta, meta_hbm)

        gvec = jnp.where(lane == 0, sel[0],
                         jnp.where(lane == 1, sel[1],
                                   jnp.where(lane == 2, sel[2], lane)))
        idx8[pl.ds(0, GPAD)] = gvec
        pltpu.async_copy(hid_hbm.at[idx8], rows_v, sem).wait()
        pltpu.sync_copy(rows_v.at[pl.ds(0, K), :], anchors_hbm)


def _make_sc_select():
    return functools.partial(
        pl.kernel,
        mesh=plsc.VectorSubcoreMesh(core_axis_name="c", subcore_axis_name="s"),
        out_type=[
            jax.ShapeDtypeStruct((K, DIM), jnp.float32),
            jax.ShapeDtypeStruct((LANES,), jnp.int32),
        ],
        scratch_types=[
            pltpu.VMEM((NPT,), jnp.float32),
            pltpu.VMEM((N,), jnp.int32),
            pltpu.VMEM_SHARED((NSUB * LANES,), jnp.float32),
            pltpu.VMEM_SHARED((NSUB * LANES,), jnp.float32),
            pltpu.VMEM((NSUB * LANES,), jnp.float32),
            pltpu.VMEM((NSUB * LANES,), jnp.float32),
            pltpu.VMEM((GPAD,), jnp.int32),
            pltpu.VMEM((GPAD, DIM), jnp.float32),
            pltpu.VMEM((LANES,), jnp.int32),
            pltpu.SemaphoreType.DMA,
        ],
        compiler_params=pltpu.CompilerParams(needs_layout_passes=False),
    )(_sc_select_body)


_SC_SELECT = None


def _sc_select(norms_flat, tokens, hidden):
    global _SC_SELECT
    if _SC_SELECT is None:
        _SC_SELECT = _make_sc_select()
    return _SC_SELECT(norms_flat, tokens, hidden)


@jax.jit
def _run(hidden, tokens_i32):
    norms2 = pl.pallas_call(
        _norms_body,
        grid=(GRID_F,),
        in_specs=[pl.BlockSpec((BLK, DIM), lambda i: (i, 0))],
        out_specs=pl.BlockSpec((NROWS128, 128), lambda i: (0, 0)),
        out_shape=jax.ShapeDtypeStruct((NROWS128, 128), jnp.float32),
        compiler_params=pltpu.CompilerParams(
            dimension_semantics=("arbitrary",)),
    )(hidden)

    anchors, meta = _sc_select(norms2.reshape(N), tokens_i32, hidden)
    return anchors, meta


def kernel(hidden, tokens):
    anchors, meta = _run(hidden, tokens.astype(jnp.int32))
    sel_tokens = meta[:K].astype(tokens.dtype)
    return anchors, sel_tokens

# --- scband reference (transcript-rebuilt; emitter-appended) ---
"""Pipeline reference for scband-reconstructive-memory-20727512170824 (READ-ONLY COPY).

The authoritative reference and input builder live on the scoring server;
editing this copy changes nothing except your own understanding.
"""

import jax, jax.numpy as jnp
import numpy as np

N = 8192
DIM = 4096
K = 3
VOCAB = 50257

def setup_inputs(seed: int = 0) -> dict:
    key = jax.random.key(seed)
    k1, k2 = jax.random.split(key)
    hidden = jax.random.normal(k1, (N, DIM), dtype=jnp.float32)
    tokens = jax.random.randint(k2, (N,), 0, VOCAB, dtype=jnp.int64)
    return {"hidden": hidden, "tokens": tokens}

def reference(hidden, tokens):
    # Faithful translation of ReconstructiveMemory.store():
    #   k = max(1, min(len(tokens), 3))
    #   norms = torch.norm(hidden, dim=-1)
    #   _, idx = torch.topk(norms, k)
    #   anchors = hidden[idx]; selected_tokens = tokens[idx]
    k = max(1, min(int(tokens.shape[0]), 3))
    norms = jnp.linalg.norm(hidden, axis=-1)
    _, idx = jax.lax.top_k(norms, k)
    anchors = jnp.take(hidden, idx, axis=0)
    sel_tokens = jnp.take(tokens, idx, axis=0)
    return anchors, sel_tokens

if __name__ == "__main__":
    import jax
    _d = setup_inputs()
    print(jax.jit(kernel)(*tuple(_d.values())))

</pallas_src>

<mosaic_0001>
#map = affine_map<(d0, d1) -> (0)>
#map1 = affine_map<(d0, d1) -> (0, 0)>
module attributes {stable_mosaic.version = 14 : i64} {
  func.func @_sc_select_body(%arg0: i32, %arg1: i32, %arg2: memref<8192xf32, #tpu.memory_space<hbm>>, %arg3: memref<8192xi32, #tpu.memory_space<hbm>>, %arg4: memref<8192x4096xf32, #tpu.memory_space<hbm>>, %arg5: memref<3x4096xf32, #tpu.memory_space<hbm>>, %arg6: memref<16xi32, #tpu.memory_space<hbm>>, %arg7: memref<512xf32, #tpu.memory_space<vmem>>, %arg8: memref<8192xi32, #tpu.memory_space<vmem>>, %arg9: memref<256xf32, #tpu.memory_space<vmem_shared>>, %arg10: memref<256xf32, #tpu.memory_space<vmem_shared>>, %arg11: memref<256xf32, #tpu.memory_space<vmem>>, %arg12: memref<256xf32, #tpu.memory_space<vmem>>, %arg13: memref<16xi32, #tpu.memory_space<vmem>>, %arg14: memref<16x4096xf32, #tpu.memory_space<vmem>>, %arg15: memref<16xi32, #tpu.memory_space<vmem>>, %arg16: memref<!tpu.dma_semaphore, #tpu.memory_space<semaphore_mem>>) attributes {dimension_semantics = [#tpu.dimension_semantics<core_parallel>, #tpu.dimension_semantics<subcore_parallel>], iteration_bounds = array<i64: 2, 16>, scalar_prefetch = 0 : i64, scratch_operands = 10 : i64, tpu.core_type = #tpu.core_type<sc_vector_subcore>, window_params = [{transform_indices = #map}, {transform_indices = #map}, {transform_indices = #map1}, {transform_indices = #map1}, {transform_indices = #map}]} {
    %iota3A = tpu.iota {dimensions = array<i32: 0>} : vector<16xi32>
    %mul3A = arith.constant 512 : i32
    %mul3A_0 = arith.muli %arg1, %mul3A : i32
    "tpu.region"() ({
      %run_scoped3A = tpu.sem_alloc : memref<!tpu.dma_semaphore, #tpu.memory_space<semaphore_mem>>
      %dma_start3A = tpu.memref_slice %arg2[%mul3A_0] : memref<8192xf32, #tpu.memory_space<hbm>> -> memref<512xf32, #tpu.memory_space<hbm>>
      %dma_start3A_134 = tpu.memref_slice %arg2[%mul3A_0] : memref<8192xf32, #tpu.memory_space<hbm>> -> memref<512xf32, #tpu.memory_space<hbm>>
      tpu.enqueue_dma source(%dma_start3A_134 : memref<512xf32, #tpu.memory_space<hbm>>) target(%arg7 : memref<512xf32, #tpu.memory_space<vmem>>) target_semaphore(%run_scoped3A : memref<!tpu.dma_semaphore, #tpu.memory_space<semaphore_mem>>)
      %dma_wait3A = tpu.memref_slice %arg2[%mul3A_0] : memref<8192xf32, #tpu.memory_space<hbm>> -> memref<512xf32, #tpu.memory_space<hbm>>
      %dma_wait3A_135 = tpu.memref_slice %arg2[%mul3A_0] : memref<8192xf32, #tpu.memory_space<hbm>> -> memref<512xf32, #tpu.memory_space<hbm>>
      tpu.wait_dma2 semaphore(%run_scoped3A : memref<!tpu.dma_semaphore, #tpu.memory_space<semaphore_mem>>) src(%dma_wait3A_135 : memref<512xf32, #tpu.memory_space<hbm>>) dst(%arg7 : memref<512xf32, #tpu.memory_space<vmem>>)
      tpu.yield
    }) : () -> ()
    %mul3A_1 = arith.constant 512 : i32
    %mul3A_2 = arith.muli %arg1, %mul3A_1 : i32
    %broadcast_in_dim3A = arith.constant -1.000000e+00 : f32
    %broadcast_in_dim3A_3 = vector.broadcast %broadcast_in_dim3A : f32 to vector<16xf32>
    %broadcast_in_dim3A_4 = arith.constant 0 : i32
    %broadcast_in_dim3A_5 = vector.broadcast %broadcast_in_dim3A_4 : i32 to vector<16xi32>
    %scan3A = arith.constant 0 : i32
    %scan3A_6 = arith.constant 32 : i32
    %scan3A_7 = arith.addi %scan3A, %scan3A_6 : i32
    %scan3A_8 = arith.constant 1 : i32
    %scan3A_9:2 = scf.for %scan3A_134 = %scan3A to %scan3A_7 step %scan3A_8 iter_args(%scan3A_135 = %broadcast_in_dim3A_3, %scan3A_136 = %broadcast_in_dim3A_5) -> (vector<16xf32>, vector<16xi32>)  : i32 {
      %mul3A_137 = arith.constant 16 : i32
      %mul3A_138 = arith.muli %scan3A_134, %mul3A_137 : i32
      %get3A = arith.index_cast %mul3A_138 : i32 to index
      %get3A_139 = tpu.vector_load %arg7[%get3A] {strides = array<i32>} : memref<512xf32, #tpu.memory_space<vmem>>, vector<16xf32>,
      %mul3A_140 = arith.constant 16 : i32
      %mul3A_141 = arith.muli %scan3A_134, %mul3A_140 : i32
      %add3A = arith.addi %mul3A_2, %mul3A_141 : i32
      %add3A_142 = vector.broadcast %add3A : i32 to vector<16xi32>
      %add3A_143 = arith.addi %add3A_142, %iota3A : vector<16xi32>
      %gt3A_144 = arith.cmpf ogt, %get3A_139, %scan3A_135 : vector<16xf32>
      %select_n3A_145 = arith.select %gt3A_144, %get3A_139, %scan3A_135 : vector<16xi1>, vector<16xf32>
      %select_n3A_146 = arith.select %gt3A_144, %add3A_143, %scan3A_136 : vector<16xi1>, vector<16xi32>
      scf.yield %select_n3A_145, %select_n3A_146 : vector<16xf32>, vector<16xi32>
    }
    %scan3A_10 = arith.constant 32 : i32
    %reduce_max3A = arith.constant true
    %reduce_max3A_11 = vector.broadcast %reduce_max3A : i1 to vector<16xi1>
    %reduce_max3A_12 = tpu.scan <max>, %scan3A_9#0 masked %reduce_max3A_11 : vector<16xf32>, vector<16xi1> -> vector<16xf32>
    %reduce_max3A_13 = vector.extract %reduce_max3A_12[15] : f32 from vector<16xf32>
    %eq3A = vector.broadcast %reduce_max3A_13 : f32 to vector<16xf32>
    %eq3A_14 = arith.cmpf oeq, %scan3A_9#0, %eq3A : vector<16xf32>
    %gt3A = arith.constant -1.000000e+00 : f32
    %gt3A_15 = arith.cmpf ogt, %reduce_max3A_13, %gt3A : f32
    %and3A = vector.broadcast %gt3A_15 : i1 to vector<16xi1>
    %and3A_16 = arith.andi %eq3A_14, %and3A : vector<16xi1>
    %jit3A = arith.constant 2147483647 : i32
    %broadcast_in_dim3A_17 = vector.broadcast %jit3A : i32 to vector<16xi32>
    %select_n3A = arith.select %and3A_16, %scan3A_9#1, %broadcast_in_dim3A_17 : vector<16xi1>, vector<16xi32>
    %reduce_min3A = arith.constant true
    %reduce_min3A_18 = vector.broadcast %reduce_min3A : i1 to vector<16xi1>
    %reduce_min3A_19 = arith.constant -2147483648 : i32
    %reduce_min3A_20 = vector.broadcast %reduce_min3A_19 : i32 to vector<16xi32>
    %reduce_min3A_21 = arith.xori %select_n3A, %reduce_min3A_20 : vector<16xi32>
    %reduce_min3A_22 = tpu.scan <min>, %reduce_min3A_21 masked %reduce_min3A_18 : vector<16xi32>, vector<16xi1> -> vector<16xi32>
    %reduce_min3A_23 = arith.xori %reduce_min3A_22, %reduce_min3A_20 : vector<16xi32>
    %reduce_min3A_24 = vector.extract %reduce_min3A_23[15] : i32 from vector<16xi32>
    %broadcast_in_dim3A_25 = arith.constant -1.000000e+00 : f32
    %broadcast_in_dim3A_26 = vector.broadcast %broadcast_in_dim3A_25 : f32 to vector<16xf32>
    %broadcast_in_dim3A_27 = arith.constant 0 : i32
    %broadcast_in_dim3A_28 = vector.broadcast %broadcast_in_dim3A_27 : i32 to vector<16xi32>
    %scan3A_29 = arith.constant 0 : i32
    %scan3A_30 = arith.constant 32 : i32
    %scan3A_31 = arith.addi %scan3A_29, %scan3A_30 : i32
    %scan3A_32 = arith.constant 1 : i32
    %scan3A_33:2 = scf.for %scan3A_134 = %scan3A_29 to %scan3A_31 step %scan3A_32 iter_args(%scan3A_135 = %broadcast_in_dim3A_26, %scan3A_136 = %broadcast_in_dim3A_28) -> (vector<16xf32>, vector<16xi32>)  : i32 {
      %mul3A_137 = arith.constant 16 : i32
      %mul3A_138 = arith.muli %scan3A_134, %mul3A_137 : i32
      %get3A = arith.index_cast %mul3A_138 : i32 to index
      %get3A_139 = tpu.vector_load %arg7[%get3A] {strides = array<i32>} : memref<512xf32, #tpu.memory_space<vmem>>, vector<16xf32>,
      %mul3A_140 = arith.constant 16 : i32
      %mul3A_141 = arith.muli %scan3A_134, %mul3A_140 : i32
      %add3A = arith.addi %mul3A_2, %mul3A_141 : i32
      %add3A_142 = vector.broadcast %add3A : i32 to vector<16xi32>
      %add3A_143 = arith.addi %add3A_142, %iota3A : vector<16xi32>
      %eq3A_144 = vector.broadcast %reduce_min3A_24 : i32 to vector<16xi32>
      %eq3A_145 = arith.cmpi eq, %add3A_143, %eq3A_144 : vector<16xi32>
      %jit3A_146 = arith.constant -1.000000e+00 : f32
      %broadcast_in_dim3A_147 = vector.broadcast %jit3A_146 : f32 to vector<16xf32>
      %select_n3A_148 = arith.select %eq3A_145, %broadcast_in_dim3A_147, %get3A_139 : vector<16xi1>, vector<16xf32>
      %gt3A_149 = arith.cmpf ogt, %select_n3A_148, %scan3A_135 : vector<16xf32>
      %select_n3A_150 = arith.select %gt3A_149, %select_n3A_148, %scan3A_135 : vector<16xi1>, vector<16xf32>
      %select_n3A_151 = arith.select %gt3A_149, %add3A_143, %scan3A_136 : vector<16xi1>, vector<16xi32>
      scf.yield %select_n3A_150, %select_n3A_151 : vector<16xf32>, vector<16xi32>
    }
    %scan3A_34 = arith.constant 32 : i32
    %reduce_max3A_35 = arith.constant true
    %reduce_max3A_36 = vector.broadcast %reduce_max3A_35 : i1 to vector<16xi1>
    %reduce_max3A_37 = tpu.scan <max>, %scan3A_33#0 masked %reduce_max3A_36 : vector<16xf32>, vector<16xi1> -> vector<16xf32>
    %reduce_max3A_38 = vector.extract %reduce_max3A_37[15] : f32 from vector<16xf32>
    %eq3A_39 = vector.broadcast %reduce_max3A_38 : f32 to vector<16xf32>
    %eq3A_40 = arith.cmpf oeq, %scan3A_33#0, %eq3A_39 : vector<16xf32>
    %gt3A_41 = arith.constant -1.000000e+00 : f32
    %gt3A_42 = arith.cmpf ogt, %reduce_max3A_38, %gt3A_41 : f32
    %and3A_43 = vector.broadcast %gt3A_42 : i1 to vector<16xi1>
    %and3A_44 = arith.andi %eq3A_40, %and3A_43 : vector<16xi1>
    %jit3A_45 = arith.constant 2147483647 : i32
    %broadcast_in_dim3A_46 = vector.broadcast %jit3A_45 : i32 to vector<16xi32>
    %select_n3A_47 = arith.select %and3A_44, %scan3A_33#1, %broadcast_in_dim3A_46 : vector<16xi1>, vector<16xi32>
    %reduce_min3A_48 = arith.constant true
    %reduce_min3A_49 = vector.broadcast %reduce_min3A_48 : i1 to vector<16xi1>
    %reduce_min3A_50 = arith.constant -2147483648 : i32
    %reduce_min3A_51 = vector.broadcast %reduce_min3A_50 : i32 to vector<16xi32>
    %reduce_min3A_52 = arith.xori %select_n3A_47, %reduce_min3A_51 : vector<16xi32>
    %reduce_min3A_53 = tpu.scan <min>, %reduce_min3A_52 masked %reduce_min3A_49 : vector<16xi32>, vector<16xi1> -> vector<16xi32>
    %reduce_min3A_54 = arith.xori %reduce_min3A_53, %reduce_min3A_51 : vector<16xi32>
    %reduce_min3A_55 = vector.extract %reduce_min3A_54[15] : i32 from vector<16xi32>
    %broadcast_in_dim3A_56 = arith.constant -1.000000e+00 : f32
    %broadcast_in_dim3A_57 = vector.broadcast %broadcast_in_dim3A_56 : f32 to vector<16xf32>
    %broadcast_in_dim3A_58 = arith.constant 0 : i32
    %broadcast_in_dim3A_59 = vector.broadcast %broadcast_in_dim3A_58 : i32 to vector<16xi32>
    %scan3A_60 = arith.constant 0 : i32
    %scan3A_61 = arith.constant 32 : i32
    %scan3A_62 = arith.addi %scan3A_60, %scan3A_61 : i32
    %scan3A_63 = arith.constant 1 : i32
    %scan3A_64:2 = scf.for %scan3A_134 = %scan3A_60 to %scan3A_62 step %scan3A_63 iter_args(%scan3A_135 = %broadcast_in_dim3A_57, %scan3A_136 = %broadcast_in_dim3A_59) -> (vector<16xf32>, vector<16xi32>)  : i32 {
      %mul3A_137 = arith.constant 16 : i32
      %mul3A_138 = arith.muli %scan3A_134, %mul3A_137 : i32
      %get3A = arith.index_cast %mul3A_138 : i32 to index
      %get3A_139 = tpu.vector_load %arg7[%get3A] {strides = array<i32>} : memref<512xf32, #tpu.memory_space<vmem>>, vector<16xf32>,
      %mul3A_140 = arith.constant 16 : i32
      %mul3A_141 = arith.muli %scan3A_134, %mul3A_140 : i32
      %add3A = arith.addi %mul3A_2, %mul3A_141 : i32
      %add3A_142 = vector.broadcast %add3A : i32 to vector<16xi32>
      %add3A_143 = arith.addi %add3A_142, %iota3A : vector<16xi32>
      %eq3A_144 = vector.broadcast %reduce_min3A_24 : i32 to vector<16xi32>
      %eq3A_145 = arith.cmpi eq, %add3A_143, %eq3A_144 : vector<16xi32>
      %jit3A_146 = arith.constant -1.000000e+00 : f32
      %broadcast_in_dim3A_147 = vector.broadcast %jit3A_146 : f32 to vector<16xf32>
      %select_n3A_148 = arith.select %eq3A_145, %broadcast_in_dim3A_147, %get3A_139 : vector<16xi1>, vector<16xf32>
      %eq3A_149 = vector.broadcast %reduce_min3A_55 : i32 to vector<16xi32>
      %eq3A_150 = arith.cmpi eq, %add3A_143, %eq3A_149 : vector<16xi32>
      %jit3A_151 = arith.constant -1.000000e+00 : f32
      %broadcast_in_dim3A_152 = vector.broadcast %jit3A_151 : f32 to vector<16xf32>
      %select_n3A_153 = arith.select %eq3A_150, %broadcast_in_dim3A_152, %select_n3A_148 : vector<16xi1>, vector<16xf32>
      %gt3A_154 = arith.cmpf ogt, %select_n3A_153, %scan3A_135 : vector<16xf32>
      %select_n3A_155 = arith.select %gt3A_154, %select_n3A_153, %scan3A_135 : vector<16xi1>, vector<16xf32>
      %select_n3A_156 = arith.select %gt3A_154, %add3A_143, %scan3A_136 : vector<16xi1>, vector<16xi32>
      scf.yield %select_n3A_155, %select_n3A_156 : vector<16xf32>, vector<16xi32>
    }
    %scan3A_65 = arith.constant 32 : i32
    %reduce_max3A_66 = arith.constant true
    %reduce_max3A_67 = vector.broadcast %reduce_max3A_66 : i1 to vector<16xi1>
    %reduce_max3A_68 = tpu.scan <max>, %scan3A_64#0 masked %reduce_max3A_67 : vector<16xf32>, vector<16xi1> -> vector<16xf32>
    %reduce_max3A_69 = vector.extract %reduce_max3A_68[15] : f32 from vector<16xf32>
    %eq3A_70 = vector.broadcast %reduce_max3A_69 : f32 to vector<16xf32>
    %eq3A_71 = arith.cmpf oeq, %scan3A_64#0, %eq3A_70 : vector<16xf32>
    %gt3A_72 = arith.constant -1.000000e+00 : f32
    %gt3A_73 = arith.cmpf ogt, %reduce_max3A_69, %gt3A_72 : f32
    %and3A_74 = vector.broadcast %gt3A_73 : i1 to vector<16xi1>
    %and3A_75 = arith.andi %eq3A_71, %and3A_74 : vector<16xi1>
    %jit3A_76 = arith.constant 2147483647 : i32
    %broadcast_in_dim3A_77 = vector.broadcast %jit3A_76 : i32 to vector<16xi32>
    %select_n3A_78 = arith.select %and3A_75, %scan3A_64#1, %broadcast_in_dim3A_77 : vector<16xi1>, vector<16xi32>
    %reduce_min3A_79 = arith.constant true
    %reduce_min3A_80 = vector.broadcast %reduce_min3A_79 : i1 to vector<16xi1>
    %reduce_min3A_81 = arith.constant -2147483648 : i32
    %reduce_min3A_82 = vector.broadcast %reduce_min3A_81 : i32 to vector<16xi32>
    %reduce_min3A_83 = arith.xori %select_n3A_78, %reduce_min3A_82 : vector<16xi32>
    %reduce_min3A_84 = tpu.scan <min>, %reduce_min3A_83 masked %reduce_min3A_80 : vector<16xi32>, vector<16xi1> -> vector<16xi32>
    %reduce_min3A_85 = arith.xori %reduce_min3A_84, %reduce_min3A_82 : vector<16xi32>
    %reduce_min3A_86 = vector.extract %reduce_min3A_85[15] : i32 from vector<16xi32>
    %eq3A_87 = arith.constant 0 : i32
    %eq3A_88 = vector.broadcast %eq3A_87 : i32 to vector<16xi32>
    %eq3A_89 = arith.cmpi eq, %iota3A, %eq3A_88 : vector<16xi32>
    %eq3A_90 = arith.constant 1 : i32
    %eq3A_91 = vector.broadcast %eq3A_90 : i32 to vector<16xi32>
    %eq3A_92 = arith.cmpi eq, %iota3A, %eq3A_91 : vector<16xi32>
    %eq3A_93 = arith.constant 2 : i32
    %eq3A_94 = vector.broadcast %eq3A_93 : i32 to vector<16xi32>
    %eq3A_95 = arith.cmpi eq, %iota3A, %eq3A_94 : vector<16xi32>
    %jit3A_96 = arith.constant -1.000000e+00 : f32
    %broadcast_in_dim3A_97 = vector.broadcast %reduce_max3A_69 : f32 to vector<16xf32>
    %broadcast_in_dim3A_98 = vector.broadcast %jit3A_96 : f32 to vector<16xf32>
    %select_n3A_99 = arith.select %eq3A_95, %broadcast_in_dim3A_97, %broadcast_in_dim3A_98 : vector<16xi1>, vector<16xf32>
    %broadcast_in_dim3A_100 = vector.broadcast %reduce_max3A_38 : f32 to vector<16xf32>
    %select_n3A_101 = arith.select %eq3A_92, %broadcast_in_dim3A_100, %select_n3A_99 : vector<16xi1>, vector<16xf32>
    %broadcast_in_dim3A_102 = vector.broadcast %reduce_max3A_13 : f32 to vector<16xf32>
    %select_n3A_103 = arith.select %eq3A_89, %broadcast_in_dim3A_102, %select_n3A_101 : vector<16xi1>, vector<16xf32>
    %eq3A_104 = arith.constant 0 : i32
    %eq3A_105 = vector.broadcast %eq3A_104 : i32 to vector<16xi32>
    %eq3A_106 = arith.cmpi eq, %iota3A, %eq3A_105 : vector<16xi32>
    %eq3A_107 = arith.constant 1 : i32
    %eq3A_108 = vector.broadcast %eq3A_107 : i32 to vector<16xi32>
    %eq3A_109 = arith.cmpi eq, %iota3A, %eq3A_108 : vector<16xi32>
    %eq3A_110 = arith.constant 2 : i32
    %eq3A_111 = vector.broadcast %eq3A_110 : i32 to vector<16xi32>
    %eq3A_112 = arith.cmpi eq, %iota3A, %eq3A_111 : vector<16xi32>
    %jit3A_113 = arith.constant 0 : i32
    %broadcast_in_dim3A_114 = vector.broadcast %reduce_min3A_86 : i32 to vector<16xi32>
    %broadcast_in_dim3A_115 = vector.broadcast %jit3A_113 : i32 to vector<16xi32>
    %select_n3A_116 = arith.select %eq3A_112, %broadcast_in_dim3A_114, %broadcast_in_dim3A_115 : vector<16xi1>, vector<16xi32>
    %broadcast_in_dim3A_117 = vector.broadcast %reduce_min3A_55 : i32 to vector<16xi32>
    %select_n3A_118 = arith.select %eq3A_109, %broadcast_in_dim3A_117, %select_n3A_116 : vector<16xi1>, vector<16xi32>
    %broadcast_in_dim3A_119 = vector.broadcast %reduce_min3A_24 : i32 to vector<16xi32>
    %select_n3A_120 = arith.select %eq3A_106, %broadcast_in_dim3A_119, %select_n3A_118 : vector<16xi1>, vector<16xi32>
    %swap3A = arith.constant 0 : index
    %swap3A_121 = tpu.vector_load %arg7[%swap3A] {strides = array<i32>} : memref<512xf32, #tpu.memory_space<vmem>>, vector<16xf32>,
    tpu.vector_store %arg7[%swap3A], %select_n3A_103 {strides = array<i32>} : memref<512xf32, #tpu.memory_space<vmem>>, vector<16xf32>,
    %mul3A_122 = arith.constant 16 : i32
    %mul3A_123 = arith.muli %arg1, %mul3A_122 : i32
    "tpu.region"() ({
      %run_scoped3A = tpu.sem_alloc : memref<!tpu.dma_semaphore, #tpu.memory_space<semaphore_mem>>
      %dma_start3A = arith.constant 0 : i32
      %dma_start3A_134 = tpu.memref_slice %arg7[%dma_start3A] : memref<512xf32, #tpu.memory_space<vmem>> -> memref<16xf32, #tpu.memory_space<vmem>>
      %dma_start3A_135 = tpu.memref_slice %arg9[%mul3A_123] : memref<256xf32, #tpu.memory_space<vmem_shared>> -> memref<16xf32, #tpu.memory_space<vmem_shared>>
      %dma_start3A_136 = tpu.memref_slice %arg9[%mul3A_123] : memref<256xf32, #tpu.memory_space<vmem_shared>> -> memref<16xf32, #tpu.memory_space<vmem_shared>>
      %dma_start3A_137 = arith.constant 0 : i32
      %dma_start3A_138 = tpu.memref_slice %arg7[%dma_start3A_137] : memref<512xf32, #tpu.memory_space<vmem>> -> memref<16xf32, #tpu.memory_space<vmem>>
      tpu.enqueue_dma source(%dma_start3A_138 : memref<16xf32, #tpu.memory_space<vmem>>) target(%dma_start3A_136 : memref<16xf32, #tpu.memory_space<vmem_shared>>) target_semaphore(%run_scoped3A : memref<!tpu.dma_semaphore, #tpu.memory_space<semaphore_mem>>)
      %dma_wait3A = arith.constant 0 : i32
      %dma_wait3A_139 = tpu.memref_slice %arg7[%dma_wait3A] : memref<512xf32, #tpu.memory_space<vmem>> -> memref<16xf32, #tpu.memory_space<vmem>>
      %dma_wait3A_140 = tpu.memref_slice %arg9[%mul3A_123] : memref<256xf32, #tpu.memory_space<vmem_shared>> -> memref<16xf32, #tpu.memory_space<vmem_shared>>
      %dma_wait3A_141 = tpu.memref_slice %arg9[%mul3A_123] : memref<256xf32, #tpu.memory_space<vmem_shared>> -> memref<16xf32, #tpu.memory_space<vmem_shared>>
      %dma_wait3A_142 = arith.constant 0 : i32
      %dma_wait3A_143 = tpu.memref_slice %arg7[%dma_wait3A_142] : memref<512xf32, #tpu.memory_space<vmem>> -> memref<16xf32, #tpu.memory_space<vmem>>
      tpu.wait_dma2 semaphore(%run_scoped3A : memref<!tpu.dma_semaphore, #tpu.memory_space<semaphore_mem>>) src(%dma_wait3A_143 : memref<16xf32, #tpu.memory_space<vmem>>) dst(%dma_wait3A_141 : memref<16xf32, #tpu.memory_space<vmem_shared>>)
      tpu.yield
    }) : () -> ()
    %bitcast3A = vector.bitcast %select_n3A_120 : vector<16xi32> to vector<16xf32>
    %swap3A_124 = arith.constant 0 : index
    %swap3A_125 = tpu.vector_load %arg7[%swap3A_124] {strides = array<i32>} : memref<512xf32, #tpu.memory_space<vmem>>, vector<16xf32>,
    tpu.vector_store %arg7[%swap3A_124], %bitcast3A {strides = array<i32>} : memref<512xf32, #tpu.memory_space<vmem>>, vector<16xf32>,
    %mul3A_126 = arith.constant 16 : i32
    %mul3A_127 = arith.muli %arg1, %mul3A_126 : i32
    "tpu.region"() ({
      %run_scoped3A = tpu.sem_alloc : memref<!tpu.dma_semaphore, #tpu.memory_space<semaphore_mem>>
      %dma_start3A = arith.constant 0 : i32
      %dma_start3A_134 = tpu.memref_slice %arg7[%dma_start3A] : memref<512xf32, #tpu.memory_space<vmem>> -> memref<16xf32, #tpu.memory_space<vmem>>
      %dma_start3A_135 = tpu.memref_slice %arg10[%mul3A_127] : memref<256xf32, #tpu.memory_space<vmem_shared>> -> memref<16xf32, #tpu.memory_space<vmem_shared>>
      %dma_start3A_136 = tpu.memref_slice %arg10[%mul3A_127] : memref<256xf32, #tpu.memory_space<vmem_shared>> -> memref<16xf32, #tpu.memory_space<vmem_shared>>
      %dma_start3A_137 = arith.constant 0 : i32
      %dma_start3A_138 = tpu.memref_slice %arg7[%dma_start3A_137] : memref<512xf32, #tpu.memory_space<vmem>> -> memref<16xf32, #tpu.memory_space<vmem>>
      tpu.enqueue_dma source(%dma_start3A_138 : memref<16xf32, #tpu.memory_space<vmem>>) target(%dma_start3A_136 : memref<16xf32, #tpu.memory_space<vmem_shared>>) target_semaphore(%run_scoped3A : memref<!tpu.dma_semaphore, #tpu.memory_space<semaphore_mem>>)
      %dma_wait3A = arith.constant 0 : i32
      %dma_wait3A_139 = tpu.memref_slice %arg7[%dma_wait3A] : memref<512xf32, #tpu.memory_space<vmem>> -> memref<16xf32, #tpu.memory_space<vmem>>
      %dma_wait3A_140 = tpu.memref_slice %arg10[%mul3A_127] : memref<256xf32, #tpu.memory_space<vmem_shared>> -> memref<16xf32, #tpu.memory_space<vmem_shared>>
      %dma_wait3A_141 = tpu.memref_slice %arg10[%mul3A_127] : memref<256xf32, #tpu.memory_space<vmem_shared>> -> memref<16xf32, #tpu.memory_space<vmem_shared>>
      %dma_wait3A_142 = arith.constant 0 : i32
      %dma_wait3A_143 = tpu.memref_slice %arg7[%dma_wait3A_142] : memref<512xf32, #tpu.memory_space<vmem>> -> memref<16xf32, #tpu.memory_space<vmem>>
      tpu.wait_dma2 semaphore(%run_scoped3A : memref<!tpu.dma_semaphore, #tpu.memory_space<semaphore_mem>>) src(%dma_wait3A_143 : memref<16xf32, #tpu.memory_space<vmem>>) dst(%dma_wait3A_141 : memref<16xf32, #tpu.memory_space<vmem_shared>>)
      tpu.yield
    }) : () -> ()
    %barrier3A = arith.constant 0 : index
    tpu.barrier barrier_id(%barrier3A)
    %eq3A_128 = arith.constant 0 : i32
    %eq3A_129 = arith.cmpi eq, %arg1, %eq3A_128 : i32
    %eq3A_130 = arith.constant 0 : i32
    %eq3A_131 = arith.cmpi eq, %arg0, %eq3A_130 : i32
    %and3A_132 = arith.andi %eq3A_129, %eq3A_131 : i1
    %convert_element_type3A = arith.extui %and3A_132 : i1 to i32
    %cond3A = arith.constant 0 : i32
    %cond3A_133 = arith.cmpi ne, %convert_element_type3A, %cond3A : i32
    scf.if %cond3A_133 {
      "tpu.region"() ({
        %run_scoped3A = tpu.sem_alloc : memref<!tpu.dma_semaphore, #tpu.memory_space<semaphore_mem>>
        tpu.enqueue_dma source(%arg9 : memref<256xf32, #tpu.memory_space<vmem_shared>>) target(%arg11 : memref<256xf32, #tpu.memory_space<vmem>>) target_semaphore(%run_scoped3A : memref<!tpu.dma_semaphore, #tpu.memory_space<semaphore_mem>>)
        tpu.wait_dma2 semaphore(%run_scoped3A : memref<!tpu.dma_semaphore, #tpu.memory_space<semaphore_mem>>) src(%arg9 : memref<256xf32, #tpu.memory_space<vmem_shared>>) dst(%arg11 : memref<256xf32, #tpu.memory_space<vmem>>)
        tpu.yield
      }) : () -> ()
      "tpu.region"() ({
        %run_scoped3A = tpu.sem_alloc : memref<!tpu.dma_semaphore, #tpu.memory_space<semaphore_mem>>
        tpu.enqueue_dma source(%arg10 : memref<256xf32, #tpu.memory_space<vmem_shared>>) target(%arg12 : memref<256xf32, #tpu.memory_space<vmem>>) target_semaphore(%run_scoped3A : memref<!tpu.dma_semaphore, #tpu.memory_space<semaphore_mem>>)
        tpu.wait_dma2 semaphore(%run_scoped3A : memref<!tpu.dma_semaphore, #tpu.memory_space<semaphore_mem>>) src(%arg10 : memref<256xf32, #tpu.memory_space<vmem_shared>>) dst(%arg12 : memref<256xf32, #tpu.memory_space<vmem>>)
        tpu.yield
      }) : () -> ()
      %broadcast_in_dim3A_134 = arith.constant -1.000000e+00 : f32
      %broadcast_in_dim3A_135 = vector.broadcast %broadcast_in_dim3A_134 : f32 to vector<16xf32>
      %broadcast_in_dim3A_136 = arith.constant 0 : i32
      %broadcast_in_dim3A_137 = vector.broadcast %broadcast_in_dim3A_136 : i32 to vector<16xi32>
      %scan3A_138 = arith.constant 0 : i32
      %scan3A_139 = arith.constant 16 : i32
      %scan3A_140 = arith.addi %scan3A_138, %scan3A_139 : i32
      %scan3A_141 = arith.constant 1 : i32
      %scan3A_142:2 = scf.for %scan3A_276 = %scan3A_138 to %scan3A_140 step %scan3A_141 iter_args(%scan3A_277 = %broadcast_in_dim3A_135, %scan3A_278 = %broadcast_in_dim3A_137) -> (vector<16xf32>, vector<16xi32>)  : i32 {
        %mul3A_279 = arith.constant 16 : i32
        %mul3A_280 = arith.muli %scan3A_276, %mul3A_279 : i32
        %get3A = arith.index_cast %mul3A_280 : i32 to index
        %get3A_281 = tpu.vector_load %arg11[%get3A] {strides = array<i32>} : memref<256xf32, #tpu.memory_space<vmem>>, vector<16xf32>,
        %mul3A_282 = arith.constant 16 : i32
        %mul3A_283 = arith.muli %scan3A_276, %mul3A_282 : i32
        %get3A_284 = arith.index_cast %mul3A_283 : i32 to index
        %get3A_285 = tpu.vector_load %arg12[%get3A_284] {strides = array<i32>} : memref<256xf32, #tpu.memory_space<vmem>>, vector<16xf32>,
        %bitcast3A_286 = vector.bitcast %get3A_285 : vector<16xf32> to vector<16xi32>
        %gt3A_287 = arith.cmpf ogt, %get3A_281, %scan3A_277 : vector<16xf32>
        %select_n3A_288 = arith.select %gt3A_287, %get3A_281, %scan3A_277 : vector<16xi1>, vector<16xf32>
        %select_n3A_289 = arith.select %gt3A_287, %bitcast3A_286, %scan3A_278 : vector<16xi1>, vector<16xi32>
        scf.yield %select_n3A_288, %select_n3A_289 : vector<16xf32>, vector<16xi32>
      }
      %scan3A_143 = arith.constant 16 : i32
      %reduce_max3A_144 = arith.constant true
      %reduce_max3A_145 = vector.broadcast %reduce_max3A_144 : i1 to vector<16xi1>
      %reduce_max3A_146 = tpu.scan <max>, %scan3A_142#0 masked %reduce_max3A_145 : vector<16xf32>, vector<16xi1> -> vector<16xf32>
      %reduce_max3A_147 = vector.extract %reduce_max3A_146[15] : f32 from vector<16xf32>
      %eq3A_148 = vector.broadcast %reduce_max3A_147 : f32 to vector<16xf32>
      %eq3A_149 = arith.cmpf oeq, %scan3A_142#0, %eq3A_148 : vector<16xf32>
      %jit3A_150 = arith.constant 2147483647 : i32
      %broadcast_in_dim3A_151 = vector.broadcast %jit3A_150 : i32 to vector<16xi32>
      %select_n3A_152 = arith.select %eq3A_149, %scan3A_142#1, %broadcast_in_dim3A_151 : vector<16xi1>, vector<16xi32>
      %reduce_min3A_153 = arith.constant true
      %reduce_min3A_154 = vector.broadcast %reduce_min3A_153 : i1 to vector<16xi1>
      %reduce_min3A_155 = arith.constant -2147483648 : i32
      %reduce_min3A_156 = vector.broadcast %reduce_min3A_155 : i32 to vector<16xi32>
      %reduce_min3A_157 = arith.xori %select_n3A_152, %reduce_min3A_156 : vector<16xi32>
      %reduce_min3A_158 = tpu.scan <min>, %reduce_min3A_157 masked %reduce_min3A_154 : vector<16xi32>, vector<16xi1> -> vector<16xi32>
      %reduce_min3A_159 = arith.xori %reduce_min3A_158, %reduce_min3A_156 : vector<16xi32>
      %reduce_min3A_160 = vector.extract %reduce_min3A_159[15] : i32 from vector<16xi32>
      %scan3A_161 = arith.constant 2147483647 : i32
      %scan3A_162 = arith.constant 0 : i32
      %scan3A_163 = arith.constant 16 : i32
      %scan3A_164 = arith.addi %scan3A_162, %scan3A_163 : i32
      %scan3A_165 = arith.constant 1 : i32
      %scan3A_166 = scf.for %scan3A_276 = %scan3A_162 to %scan3A_164 step %scan3A_165 iter_args(%scan3A_277 = %reduce_min3A_160) -> (i32)  : i32 {
        %mul3A_278 = arith.constant 16 : i32
        %mul3A_279 = arith.muli %scan3A_276, %mul3A_278 : i32
        %get3A = arith.index_cast %mul3A_279 : i32 to index
        %get3A_280 = tpu.vector_load %arg11[%get3A] {strides = array<i32>} : memref<256xf32, #tpu.memory_space<vmem>>, vector<16xf32>,
        %mul3A_281 = arith.constant 16 : i32
        %mul3A_282 = arith.muli %scan3A_276, %mul3A_281 : i32
        %get3A_283 = arith.index_cast %mul3A_282 : i32 to index
        %get3A_284 = tpu.vector_load %arg12[%get3A_283] {strides = array<i32>} : memref<256xf32, #tpu.memory_space<vmem>>, vector<16xf32>,
        %bitcast3A_285 = vector.bitcast %get3A_284 : vector<16xf32> to vector<16xi32>
        %eq3A_286 = vector.broadcast %reduce_max3A_147 : f32 to vector<16xf32>
        %eq3A_287 = arith.cmpf oeq, %get3A_280, %eq3A_286 : vector<16xf32>
        %broadcast_in_dim3A_288 = vector.broadcast %scan3A_161 : i32 to vector<16xi32>
        %select_n3A_289 = arith.select %eq3A_287, %bitcast3A_285, %broadcast_in_dim3A_288 : vector<16xi1>, vector<16xi32>
        %reduce_min3A_290 = arith.constant true
        %reduce_min3A_291 = vector.broadcast %reduce_min3A_290 : i1 to vector<16xi1>
        %reduce_min3A_292 = arith.constant -2147483648 : i32
        %reduce_min3A_293 = vector.broadcast %reduce_min3A_292 : i32 to vector<16xi32>
        %reduce_min3A_294 = arith.xori %select_n3A_289, %reduce_min3A_293 : vector<16xi32>
        %reduce_min3A_295 = tpu.scan <min>, %reduce_min3A_294 masked %reduce_min3A_291 : vector<16xi32>, vector<16xi1> -> vector<16xi32>
        %reduce_min3A_296 = arith.xori %reduce_min3A_295, %reduce_min3A_293 : vector<16xi32>
        %reduce_min3A_297 = vector.extract %reduce_min3A_296[15] : i32 from vector<16xi32>
        %min3A = arith.minsi %scan3A_277, %reduce_min3A_297 : i32
        scf.yield %min3A : i32
      }
      %scan3A_167 = arith.constant 16 : i32
      %broadcast_in_dim3A_168 = arith.constant -1.000000e+00 : f32
      %broadcast_in_dim3A_169 = vector.broadcast %broadcast_in_dim3A_168 : f32 to vector<16xf32>
      %broadcast_in_dim3A_170 = arith.constant 0 : i32
      %broadcast_in_dim3A_171 = vector.broadcast %broadcast_in_dim3A_170 : i32 to vector<16xi32>
      %scan3A_172 = arith.constant 0 : i32
      %scan3A_173 = arith.constant 16 : i32
      %scan3A_174 = arith.addi %scan3A_172, %scan3A_173 : i32
      %scan3A_175 = arith.constant 1 : i32
      %scan3A_176:2 = scf.for %scan3A_276 = %scan3A_172 to %scan3A_174 step %scan3A_175 iter_args(%scan3A_277 = %broadcast_in_dim3A_169, %scan3A_278 = %broadcast_in_dim3A_171) -> (vector<16xf32>, vector<16xi32>)  : i32 {
        %mul3A_279 = arith.constant 16 : i32
        %mul3A_280 = arith.muli %scan3A_276, %mul3A_279 : i32
        %get3A = arith.index_cast %mul3A_280 : i32 to index
        %get3A_281 = tpu.vector_load %arg11[%get3A] {strides = array<i32>} : memref<256xf32, #tpu.memory_space<vmem>>, vector<16xf32>,
        %mul3A_282 = arith.constant 16 : i32
        %mul3A_283 = arith.muli %scan3A_276, %mul3A_282 : i32
        %get3A_284 = arith.index_cast %mul3A_283 : i32 to index
        %get3A_285 = tpu.vector_load %arg12[%get3A_284] {strides = array<i32>} : memref<256xf32, #tpu.memory_space<vmem>>, vector<16xf32>,
        %bitcast3A_286 = vector.bitcast %get3A_285 : vector<16xf32> to vector<16xi32>
        %eq3A_287 = vector.broadcast %scan3A_166 : i32 to vector<16xi32>
        %eq3A_288 = arith.cmpi eq, %bitcast3A_286, %eq3A_287 : vector<16xi32>
        %jit3A_289 = arith.constant -1.000000e+00 : f32
        %broadcast_in_dim3A_290 = vector.broadcast %jit3A_289 : f32 to vector<16xf32>
        %select_n3A_291 = arith.select %eq3A_288, %broadcast_in_dim3A_290, %get3A_281 : vector<16xi1>, vector<16xf32>
        %gt3A_292 = arith.cmpf ogt, %select_n3A_291, %scan3A_277 : vector<16xf32>
        %select_n3A_293 = arith.select %gt3A_292, %select_n3A_291, %scan3A_277 : vector<16xi1>, vector<16xf32>
        %select_n3A_294 = arith.select %gt3A_292, %bitcast3A_286, %scan3A_278 : vector<16xi1>, vector<16xi32>
        scf.yield %select_n3A_293, %select_n3A_294 : vector<16xf32>, vector<16xi32>
      }
      %scan3A_177 = arith.constant 16 : i32
      %reduce_max3A_178 = arith.constant true
      %reduce_max3A_179 = vector.broadcast %reduce_max3A_178 : i1 to vector<16xi1>
      %reduce_max3A_180 = tpu.scan <max>, %scan3A_176#0 masked %reduce_max3A_179 : vector<16xf32>, vector<16xi1> -> vector<16xf32>
      %reduce_max3A_181 = vector.extract %reduce_max3A_180[15] : f32 from vector<16xf32>
      %eq3A_182 = vector.broadcast %reduce_max3A_181 : f32 to vector<16xf32>
      %eq3A_183 = arith.cmpf oeq, %scan3A_176#0, %eq3A_182 : vector<16xf32>
      %jit3A_184 = arith.constant 2147483647 : i32
      %broadcast_in_dim3A_185 = vector.broadcast %jit3A_184 : i32 to vector<16xi32>
      %select_n3A_186 = arith.select %eq3A_183, %scan3A_176#1, %broadcast_in_dim3A_185 : vector<16xi1>, vector<16xi32>
      %reduce_min3A_187 = arith.constant true
      %reduce_min3A_188 = vector.broadcast %reduce_min3A_187 : i1 to vector<16xi1>
      %reduce_min3A_189 = arith.constant -2147483648 : i32
      %reduce_min3A_190 = vector.broadcast %reduce_min3A_189 : i32 to vector<16xi32>
      %reduce_min3A_191 = arith.xori %select_n3A_186, %reduce_min3A_190 : vector<16xi32>
      %reduce_min3A_192 = tpu.scan <min>, %reduce_min3A_191 masked %reduce_min3A_188 : vector<16xi32>, vector<16xi1> -> vector<16xi32>
      %reduce_min3A_193 = arith.xori %reduce_min3A_192, %reduce_min3A_190 : vector<16xi32>
      %reduce_min3A_194 = vector.extract %reduce_min3A_193[15] : i32 from vector<16xi32>
      %scan3A_195 = arith.constant 2147483647 : i32
      %scan3A_196 = arith.constant 0 : i32
      %scan3A_197 = arith.constant 16 : i32
      %scan3A_198 = arith.addi %scan3A_196, %scan3A_197 : i32
      %scan3A_199 = arith.constant 1 : i32
      %scan3A_200 = scf.for %scan3A_276 = %scan3A_196 to %scan3A_198 step %scan3A_199 iter_args(%scan3A_277 = %reduce_min3A_194) -> (i32)  : i32 {
        %mul3A_278 = arith.constant 16 : i32
        %mul3A_279 = arith.muli %scan3A_276, %mul3A_278 : i32
        %get3A = arith.index_cast %mul3A_279 : i32 to index
        %get3A_280 = tpu.vector_load %arg11[%get3A] {strides = array<i32>} : memref<256xf32, #tpu.memory_space<vmem>>, vector<16xf32>,
        %mul3A_281 = arith.constant 16 : i32
        %mul3A_282 = arith.muli %scan3A_276, %mul3A_281 : i32
        %get3A_283 = arith.index_cast %mul3A_282 : i32 to index
        %get3A_284 = tpu.vector_load %arg12[%get3A_283] {strides = array<i32>} : memref<256xf32, #tpu.memory_space<vmem>>, vector<16xf32>,
        %bitcast3A_285 = vector.bitcast %get3A_284 : vector<16xf32> to vector<16xi32>
        %eq3A_286 = vector.broadcast %scan3A_166 : i32 to vector<16xi32>
        %eq3A_287 = arith.cmpi eq, %bitcast3A_285, %eq3A_286 : vector<16xi32>
        %jit3A_288 = arith.constant -1.000000e+00 : f32
        %broadcast_in_dim3A_289 = vector.broadcast %jit3A_288 : f32 to vector<16xf32>
        %select_n3A_290 = arith.select %eq3A_287, %broadcast_in_dim3A_289, %get3A_280 : vector<16xi1>, vector<16xf32>
        %eq3A_291 = vector.broadcast %reduce_max3A_181 : f32 to vector<16xf32>
        %eq3A_292 = arith.cmpf oeq, %select_n3A_290, %eq3A_291 : vector<16xf32>
        %broadcast_in_dim3A_293 = vector.broadcast %scan3A_195 : i32 to vector<16xi32>
        %select_n3A_294 = arith.select %eq3A_292, %bitcast3A_285, %broadcast_in_dim3A_293 : vector<16xi1>, vector<16xi32>
        %reduce_min3A_295 = arith.constant true
        %reduce_min3A_296 = vector.broadcast %reduce_min3A_295 : i1 to vector<16xi1>
        %reduce_min3A_297 = arith.constant -2147483648 : i32
        %reduce_min3A_298 = vector.broadcast %reduce_min3A_297 : i32 to vector<16xi32>
        %reduce_min3A_299 = arith.xori %select_n3A_294, %reduce_min3A_298 : vector<16xi32>
        %reduce_min3A_300 = tpu.scan <min>, %reduce_min3A_299 masked %reduce_min3A_296 : vector<16xi32>, vector<16xi1> -> vector<16xi32>
        %reduce_min3A_301 = arith.xori %reduce_min3A_300, %reduce_min3A_298 : vector<16xi32>
        %reduce_min3A_302 = vector.extract %reduce_min3A_301[15] : i32 from vector<16xi32>
        %min3A = arith.minsi %scan3A_277, %reduce_min3A_302 : i32
        scf.yield %min3A : i32
      }
      %scan3A_201 = arith.constant 16 : i32
      %broadcast_in_dim3A_202 = arith.constant -1.000000e+00 : f32
      %broadcast_in_dim3A_203 = vector.broadcast %broadcast_in_dim3A_202 : f32 to vector<16xf32>
      %broadcast_in_dim3A_204 = arith.constant 0 : i32
      %broadcast_in_dim3A_205 = vector.broadcast %broadcast_in_dim3A_204 : i32 to vector<16xi32>
      %scan3A_206 = arith.constant 0 : i32
      %scan3A_207 = arith.constant 16 : i32
      %scan3A_208 = arith.addi %scan3A_206, %scan3A_207 : i32
      %scan3A_209 = arith.constant 1 : i32
      %scan3A_210:2 = scf.for %scan3A_276 = %scan3A_206 to %scan3A_208 step %scan3A_209 iter_args(%scan3A_277 = %broadcast_in_dim3A_203, %scan3A_278 = %broadcast_in_dim3A_205) -> (vector<16xf32>, vector<16xi32>)  : i32 {
        %mul3A_279 = arith.constant 16 : i32
        %mul3A_280 = arith.muli %scan3A_276, %mul3A_279 : i32
        %get3A = arith.index_cast %mul3A_280 : i32 to index
        %get3A_281 = tpu.vector_load %arg11[%get3A] {strides = array<i32>} : memref<256xf32, #tpu.memory_space<vmem>>, vector<16xf32>,
        %mul3A_282 = arith.constant 16 : i32
        %mul3A_283 = arith.muli %scan3A_276, %mul3A_282 : i32
        %get3A_284 = arith.index_cast %mul3A_283 : i32 to index
        %get3A_285 = tpu.vector_load %arg12[%get3A_284] {strides = array<i32>} : memref<256xf32, #tpu.memory_space<vmem>>, vector<16xf32>,
        %bitcast3A_286 = vector.bitcast %get3A_285 : vector<16xf32> to vector<16xi32>
        %eq3A_287 = vector.broadcast %scan3A_166 : i32 to vector<16xi32>
        %eq3A_288 = arith.cmpi eq, %bitcast3A_286, %eq3A_287 : vector<16xi32>
        %jit3A_289 = arith.constant -1.000000e+00 : f32
        %broadcast_in_dim3A_290 = vector.broadcast %jit3A_289 : f32 to vector<16xf32>
        %select_n3A_291 = arith.select %eq3A_288, %broadcast_in_dim3A_290, %get3A_281 : vector<16xi1>, vector<16xf32>
        %eq3A_292 = vector.broadcast %scan3A_200 : i32 to vector<16xi32>
        %eq3A_293 = arith.cmpi eq, %bitcast3A_286, %eq3A_292 : vector<16xi32>
        %jit3A_294 = arith.constant -1.000000e+00 : f32
        %broadcast_in_dim3A_295 = vector.broadcast %jit3A_294 : f32 to vector<16xf32>
        %select_n3A_296 = arith.select %eq3A_293, %broadcast_in_dim3A_295, %select_n3A_291 : vector<16xi1>, vector<16xf32>
        %gt3A_297 = arith.cmpf ogt, %select_n3A_296, %scan3A_277 : vector<16xf32>
        %select_n3A_298 = arith.select %gt3A_297, %select_n3A_296, %scan3A_277 : vector<16xi1>, vector<16xf32>
        %select_n3A_299 = arith.select %gt3A_297, %bitcast3A_286, %scan3A_278 : vector<16xi1>, vector<16xi32>
        scf.yield %select_n3A_298, %select_n3A_299 : vector<16xf32>, vector<16xi32>
      }
      %scan3A_211 = arith.constant 16 : i32
      %reduce_max3A_212 = arith.constant true
      %reduce_max3A_213 = vector.broadcast %reduce_max3A_212 : i1 to vector<16xi1>
      %reduce_max3A_214 = tpu.scan <max>, %scan3A_210#0 masked %reduce_max3A_213 : vector<16xf32>, vector<16xi1> -> vector<16xf32>
      %reduce_max3A_215 = vector.extract %reduce_max3A_214[15] : f32 from vector<16xf32>
      %eq3A_216 = vector.broadcast %reduce_max3A_215 : f32 to vector<16xf32>
      %eq3A_217 = arith.cmpf oeq, %scan3A_210#0, %eq3A_216 : vector<16xf32>
      %jit3A_218 = arith.constant 2147483647 : i32
      %broadcast_in_dim3A_219 = vector.broadcast %jit3A_218 : i32 to vector<16xi32>
      %select_n3A_220 = arith.select %eq3A_217, %scan3A_210#1, %broadcast_in_dim3A_219 : vector<16xi1>, vector<16xi32>
      %reduce_min3A_221 = arith.constant true
      %reduce_min3A_222 = vector.broadcast %reduce_min3A_221 : i1 to vector<16xi1>
      %reduce_min3A_223 = arith.constant -2147483648 : i32
      %reduce_min3A_224 = vector.broadcast %reduce_min3A_223 : i32 to vector<16xi32>
      %reduce_min3A_225 = arith.xori %select_n3A_220, %reduce_min3A_224 : vector<16xi32>
      %reduce_min3A_226 = tpu.scan <min>, %reduce_min3A_225 masked %reduce_min3A_222 : vector<16xi32>, vector<16xi1> -> vector<16xi32>
      %reduce_min3A_227 = arith.xori %reduce_min3A_226, %reduce_min3A_224 : vector<16xi32>
      %reduce_min3A_228 = vector.extract %reduce_min3A_227[15] : i32 from vector<16xi32>
      %scan3A_229 = arith.constant 2147483647 : i32
      %scan3A_230 = arith.constant 0 : i32
      %scan3A_231 = arith.constant 16 : i32
      %scan3A_232 = arith.addi %scan3A_230, %scan3A_231 : i32
      %scan3A_233 = arith.constant 1 : i32
      %scan3A_234 = scf.for %scan3A_276 = %scan3A_230 to %scan3A_232 step %scan3A_233 iter_args(%scan3A_277 = %reduce_min3A_228) -> (i32)  : i32 {
        %mul3A_278 = arith.constant 16 : i32
        %mul3A_279 = arith.muli %scan3A_276, %mul3A_278 : i32
        %get3A = arith.index_cast %mul3A_279 : i32 to index
        %get3A_280 = tpu.vector_load %arg11[%get3A] {strides = array<i32>} : memref<256xf32, #tpu.memory_space<vmem>>, vector<16xf32>,
        %mul3A_281 = arith.constant 16 : i32
        %mul3A_282 = arith.muli %scan3A_276, %mul3A_281 : i32
        %get3A_283 = arith.index_cast %mul3A_282 : i32 to index
        %get3A_284 = tpu.vector_load %arg12[%get3A_283] {strides = array<i32>} : memref<256xf32, #tpu.memory_space<vmem>>, vector<16xf32>,
        %bitcast3A_285 = vector.bitcast %get3A_284 : vector<16xf32> to vector<16xi32>
        %eq3A_286 = vector.broadcast %scan3A_166 : i32 to vector<16xi32>
        %eq3A_287 = arith.cmpi eq, %bitcast3A_285, %eq3A_286 : vector<16xi32>
        %jit3A_288 = arith.constant -1.000000e+00 : f32
        %broadcast_in_dim3A_289 = vector.broadcast %jit3A_288 : f32 to vector<16xf32>
        %select_n3A_290 = arith.select %eq3A_287, %broadcast_in_dim3A_289, %get3A_280 : vector<16xi1>, vector<16xf32>
        %eq3A_291 = vector.broadcast %scan3A_200 : i32 to vector<16xi32>
        %eq3A_292 = arith.cmpi eq, %bitcast3A_285, %eq3A_291 : vector<16xi32>
        %jit3A_293 = arith.constant -1.000000e+00 : f32
        %broadcast_in_dim3A_294 = vector.broadcast %jit3A_293 : f32 to vector<16xf32>
        %select_n3A_295 = arith.select %eq3A_292, %broadcast_in_dim3A_294, %select_n3A_290 : vector<16xi1>, vector<16xf32>
        %eq3A_296 = vector.broadcast %reduce_max3A_215 : f32 to vector<16xf32>
        %eq3A_297 = arith.cmpf oeq, %select_n3A_295, %eq3A_296 : vector<16xf32>
        %broadcast_in_dim3A_298 = vector.broadcast %scan3A_229 : i32 to vector<16xi32>
        %select_n3A_299 = arith.select %eq3A_297, %bitcast3A_285, %broadcast_in_dim3A_298 : vector<16xi1>, vector<16xi32>
        %reduce_min3A_300 = arith.constant true
        %reduce_min3A_301 = vector.broadcast %reduce_min3A_300 : i1 to vector<16xi1>
        %reduce_min3A_302 = arith.constant -2147483648 : i32
        %reduce_min3A_303 = vector.broadcast %reduce_min3A_302 : i32 to vector<16xi32>
        %reduce_min3A_304 = arith.xori %select_n3A_299, %reduce_min3A_303 : vector<16xi32>
        %reduce_min3A_305 = tpu.scan <min>, %reduce_min3A_304 masked %reduce_min3A_301 : vector<16xi32>, vector<16xi1> -> vector<16xi32>
        %reduce_min3A_306 = arith.xori %reduce_min3A_305, %reduce_min3A_303 : vector<16xi32>
        %reduce_min3A_307 = vector.extract %reduce_min3A_306[15] : i32 from vector<16xi32>
        %min3A = arith.minsi %scan3A_277, %reduce_min3A_307 : i32
        scf.yield %min3A : i32
      }
      %scan3A_235 = arith.constant 16 : i32
      "tpu.region"() ({
        %run_scoped3A = tpu.sem_alloc : memref<!tpu.dma_semaphore, #tpu.memory_space<semaphore_mem>>
        tpu.enqueue_dma source(%arg3 : memref<8192xi32, #tpu.memory_space<hbm>>) target(%arg8 : memref<8192xi32, #tpu.memory_space<vmem>>) target_semaphore(%run_scoped3A : memref<!tpu.dma_semaphore, #tpu.memory_space<semaphore_mem>>)
        tpu.wait_dma2 semaphore(%run_scoped3A : memref<!tpu.dma_semaphore, #tpu.memory_space<semaphore_mem>>) src(%arg3 : memref<8192xi32, #tpu.memory_space<hbm>>) dst(%arg8 : memref<8192xi32, #tpu.memory_space<vmem>>)
        tpu.yield
      }) : () -> ()
      %eq3A_236 = arith.constant 0 : i32
      %eq3A_237 = vector.broadcast %eq3A_236 : i32 to vector<16xi32>
      %eq3A_238 = arith.cmpi eq, %iota3A, %eq3A_237 : vector<16xi32>
      %eq3A_239 = arith.constant 1 : i32
      %eq3A_240 = vector.broadcast %eq3A_239 : i32 to vector<16xi32>
      %eq3A_241 = arith.cmpi eq, %iota3A, %eq3A_240 : vector<16xi32>
      %eq3A_242 = arith.constant 2 : i32
      %eq3A_243 = vector.broadcast %eq3A_242 : i32 to vector<16xi32>
      %eq3A_244 = arith.cmpi eq, %iota3A, %eq3A_243 : vector<16xi32>
      %jit3A_245 = arith.constant 0 : i32
      %broadcast_in_dim3A_246 = vector.broadcast %scan3A_234 : i32 to vector<16xi32>
      %broadcast_in_dim3A_247 = vector.broadcast %jit3A_245 : i32 to vector<16xi32>
      %select_n3A_248 = arith.select %eq3A_244, %broadcast_in_dim3A_246, %broadcast_in_dim3A_247 : vector<16xi1>, vector<16xi32>
      %broadcast_in_dim3A_249 = vector.broadcast %scan3A_200 : i32 to vector<16xi32>
      %select_n3A_250 = arith.select %eq3A_241, %broadcast_in_dim3A_249, %select_n3A_248 : vector<16xi1>, vector<16xi32>
      %broadcast_in_dim3A_251 = vector.broadcast %scan3A_166 : i32 to vector<16xi32>
      %select_n3A_252 = arith.select %eq3A_238, %broadcast_in_dim3A_251, %select_n3A_250 : vector<16xi1>, vector<16xi32>
      %gather3A = tpu.vector_load_idx %arg8[%select_n3A_252] : memref<8192xi32, #tpu.memory_space<vmem>>[vector<16xi32>], vector<16xi32>,
      %swap3A_253 = arith.constant 0 : index
      %swap3A_254 = tpu.vector_load %arg15[%swap3A_253] {strides = array<i32>} : memref<16xi32, #tpu.memory_space<vmem>>, vector<16xi32>,
      tpu.vector_store %arg15[%swap3A_253], %gather3A {strides = array<i32>} : memref<16xi32, #tpu.memory_space<vmem>>, vector<16xi32>,
      "tpu.region"() ({
        %run_scoped3A = tpu.sem_alloc : memref<!tpu.dma_semaphore, #tpu.memory_space<semaphore_mem>>
        tpu.enqueue_dma source(%arg15 : memref<16xi32, #tpu.memory_space<vmem>>) target(%arg6 : memref<16xi32, #tpu.memory_space<hbm>>) target_semaphore(%run_scoped3A : memref<!tpu.dma_semaphore, #tpu.memory_space<semaphore_mem>>)
        tpu.wait_dma2 semaphore(%run_scoped3A : memref<!tpu.dma_semaphore, #tpu.memory_space<semaphore_mem>>) src(%arg15 : memref<16xi32, #tpu.memory_space<vmem>>) dst(%arg6 : memref<16xi32, #tpu.memory_space<hbm>>)
        tpu.yield
      }) : () -> ()
      %eq3A_255 = arith.constant 0 : i32
      %eq3A_256 = vector.broadcast %eq3A_255 : i32 to vector<16xi32>
      %eq3A_257 = arith.cmpi eq, %iota3A, %eq3A_256 : vector<16xi32>
      %eq3A_258 = arith.constant 1 : i32
      %eq3A_259 = vector.broadcast %eq3A_258 : i32 to vector<16xi32>
      %eq3A_260 = arith.cmpi eq, %iota3A, %eq3A_259 : vector<16xi32>
      %eq3A_261 = arith.constant 2 : i32
      %eq3A_262 = vector.broadcast %eq3A_261 : i32 to vector<16xi32>
      %eq3A_263 = arith.cmpi eq, %iota3A, %eq3A_262 : vector<16xi32>
      %broadcast_in_dim3A_264 = vector.broadcast %scan3A_234 : i32 to vector<16xi32>
      %select_n3A_265 = arith.select %eq3A_263, %broadcast_in_dim3A_264, %iota3A : vector<16xi1>, vector<16xi32>
      %broadcast_in_dim3A_266 = vector.broadcast %scan3A_200 : i32 to vector<16xi32>
      %select_n3A_267 = arith.select %eq3A_260, %broadcast_in_dim3A_266, %select_n3A_265 : vector<16xi1>, vector<16xi32>
      %broadcast_in_dim3A_268 = vector.broadcast %scan3A_166 : i32 to vector<16xi32>
      %select_n3A_269 = arith.select %eq3A_257, %broadcast_in_dim3A_268, %select_n3A_267 : vector<16xi1>, vector<16xi32>
      %swap3A_270 = arith.constant 0 : index
      %swap3A_271 = tpu.vector_load %arg13[%swap3A_270] {strides = array<i32>} : memref<16xi32, #tpu.memory_space<vmem>>, vector<16xi32>,
      tpu.vector_store %arg13[%swap3A_270], %select_n3A_269 {strides = array<i32>} : memref<16xi32, #tpu.memory_space<vmem>>, vector<16xi32>,
      %dma_start3A = arith.constant 0 : i32
      %dma_start3A_272 = arith.constant 0 : i32
      %dma_start3A_273 = tpu.memref_slice %arg4[%dma_start3A, %dma_start3A_272] : memref<8192x4096xf32, #tpu.memory_space<hbm>> -> memref<8192x4096xf32, #tpu.memory_space<hbm>>
      tpu.enqueue_indirect_dma source(%dma_start3A_273 : memref<8192x4096xf32, #tpu.memory_space<hbm>>) target(%arg14 : memref<16x4096xf32, #tpu.memory_space<vmem>>) offsets(%arg13 : memref<16xi32, #tpu.memory_space<vmem>>) semaphore(%arg16 : memref<!tpu.dma_semaphore, #tpu.memory_space<semaphore_mem>>)
      %dma_wait3A = arith.constant 0 : i32
      %dma_wait3A_274 = arith.constant 0 : i32
      %dma_wait3A_275 = tpu.memref_slice %arg4[%dma_wait3A, %dma_wait3A_274] : memref<8192x4096xf32, #tpu.memory_space<hbm>> -> memref<8192x4096xf32, #tpu.memory_space<hbm>>
      tpu.wait_indirect_dma semaphore(%arg16 : memref<!tpu.dma_semaphore, #tpu.memory_space<semaphore_mem>>) src(%dma_wait3A_275 : memref<8192x4096xf32, #tpu.memory_space<hbm>>) dst(%arg14 : memref<16x4096xf32, #tpu.memory_space<vmem>>)
      "tpu.region"() ({
        %run_scoped3A = tpu.sem_alloc : memref<!tpu.dma_semaphore, #tpu.memory_space<semaphore_mem>>
        %dma_start3A_276 = arith.constant 0 : i32
        %dma_start3A_277 = arith.constant 0 : i32
        %dma_start3A_278 = tpu.memref_slice %arg14[%dma_start3A_276, %dma_start3A_277] : memref<16x4096xf32, #tpu.memory_space<vmem>> -> memref<3x4096xf32, #tpu.memory_space<vmem>>
        %dma_start3A_279 = arith.constant 0 : i32
        %dma_start3A_280 = arith.constant 0 : i32
        %dma_start3A_281 = tpu.memref_slice %arg14[%dma_start3A_279, %dma_start3A_280] : memref<16x4096xf32, #tpu.memory_space<vmem>> -> memref<3x4096xf32, #tpu.memory_space<vmem>>
        tpu.enqueue_dma source(%dma_start3A_281 : memref<3x4096xf32, #tpu.memory_space<vmem>>) target(%arg5 : memref<3x4096xf32, #tpu.memory_space<hbm>>) target_semaphore(%run_scoped3A : memref<!tpu.dma_semaphore, #tpu.memory_space<semaphore_mem>>)
        %dma_wait3A_282 = arith.constant 0 : i32
        %dma_wait3A_283 = arith.constant 0 : i32
        %dma_wait3A_284 = tpu.memref_slice %arg14[%dma_wait3A_282, %dma_wait3A_283] : memref<16x4096xf32, #tpu.memory_space<vmem>> -> memref<3x4096xf32, #tpu.memory_space<vmem>>
        %dma_wait3A_285 = arith.constant 0 : i32
        %dma_wait3A_286 = arith.constant 0 : i32
        %dma_wait3A_287 = tpu.memref_slice %arg14[%dma_wait3A_285, %dma_wait3A_286] : memref<16x4096xf32, #tpu.memory_space<vmem>> -> memref<3x4096xf32, #tpu.memory_space<vmem>>
        tpu.wait_dma2 semaphore(%run_scoped3A : memref<!tpu.dma_semaphore, #tpu.memory_space<semaphore_mem>>) src(%dma_wait3A_287 : memref<3x4096xf32, #tpu.memory_space<vmem>>) dst(%arg5 : memref<3x4096xf32, #tpu.memory_space<hbm>>)
        tpu.yield
      }) : () -> ()
    } else {
    }
    return
  }
}

module attributes {stable_mosaic.version = 14 : i64} {
  func.func @_norms_body(%arg0: i32, %arg1: memref<512x4096xf32, #tpu.memory_space<vmem>>, %arg2: memref<64x128xf32, #tpu.memory_space<vmem>>) attributes {dimension_semantics = [#tpu.dimension_semantics<arbitrary>], iteration_bounds = array<i64: 16>, scalar_prefetch = 0 : i64, scratch_operands = 0 : i64, tpu.core_type = #tpu.core_type<tc>, window_params = [{transform_indices = @transform_0, window_bounds = array<i64: 512, 4096>}, {pipeline_mode = #tpu.pipeline_mode<synchronous>, transform_indices = @transform_1, window_bounds = array<i64: 64, 128>}]} {
    %get3A = arith.constant 0 : index
    %get3A_0 = arith.constant 0 : index
    %get3A_1 = vector.load %arg1[%get3A, %get3A_0] : memref<512x4096xf32, #tpu.memory_space<vmem>>, vector<512x4096xf32>
    %mul3A = arith.mulf %get3A_1, %get3A_1 : vector<512x4096xf32>
    %reduce_sum3A = arith.constant dense<0.000000e+00> : vector<512xf32>
    %reduce_sum3A_2 = vector.multi_reduction <add>, %mul3A, %reduce_sum3A [1] : vector<512x4096xf32> to vector<512xf32>
    %reshape3A = vector.shape_cast %reduce_sum3A_2 : vector<512xf32> to vector<4x128xf32>
    %mul3A_3 = arith.constant 4 : i32
    %mul3A_4 = arith.muli %arg0, %mul3A_3 : i32
    %swap3A = arith.index_cast %mul3A_4 : i32 to index
    %swap3A_5 = arith.constant 0 : index
    %swap3A_6 = vector.load %arg2[%swap3A, %swap3A_5] : memref<64x128xf32, #tpu.memory_space<vmem>>, vector<4x128xf32>
    tpu.vector_store %arg2[%swap3A, %swap3A_5], %reshape3A {strides = array<i32>} : memref<64x128xf32, #tpu.memory_space<vmem>>, vector<4x128xf32>,
    return
  }
  func.func @transform_0(%arg0: i32) -> (i32, i32) {
    %c0_i32 = arith.constant 0 : i32
    %c0_i32_0 = arith.constant 0 : i32
    return %arg0, %c0_i32 : i32, i32
  }
  func.func @transform_1(%arg0: i32) -> (i32, i32) {
    %c0_i32 = arith.constant 0 : i32
    %c0_i32_0 = arith.constant 0 : i32
    %c0_i32_1 = arith.constant 0 : i32
    return %c0_i32, %c0_i32_0 : i32, i32
  }
}

</mosaic_0001>

<sc_bundles>
// kernel: _run.4.cloned.1.call-start
scs
__scs_entry_jumppad:
0x0: {  	(pc) =	sbr.rel $0x88, $3  }
0x1: {  	(tag) =	ssettag $0x0;
	lr =	simm.s32 $0x1  }
0x2: {  	[smem:$0x3F9F] =	sst lr;
	_ =	strace $0xD0000000  }
0x3: {  	_ = 	snop  }
0x4: {  	_ = 	snop  }
0x5: {  	_ = 	snop  }
0x6: {  	_ = 	snop  }
0x7: {  	_ = 	snop  }
__scs_overlays_trampoline_lowered:
0x8: {  	[smem:$0x3FAE] =	sst s0  }
0x9: {  	[smem:$0x3FAF] =	sst s1  }
0xa: {  	[smem:$0x3FB0] =	sst s2  }
0xb: {  	[smem:$0x3FB1] =	sst s3  }
0xc: {  	[smem:$0x3FB2] =	sst s4  }
0xd: {  	[smem:$0x3FB3] =	sst s5  }
0xe: {  	[smem:$0x3FB4] =	sst s6  }
0xf: {  	[smem:$0x3FB5] =	sst s7  }
0x10: {  	[smem:$0x3FB6] =	sst s8  }
0x11: {  	[smem:$0x3FB7] =	sst s9;
	s0 =	simm.s32 @!p0 $0x0  }
0x12: {  	s1 =	sld [smem:$0x3F9D];
	s0 =	simm.s32 @p0 $0x1  }
0x13: {  	[smem:$0x3FB8] =	sst s0;
	s0 =	simm.s32 @!p1 $0x0  }
0x14: {  	s2 =	sld [smem:$0x3F9C];
	s0 =	simm.s32 @p1 $0x1  }
0x15: {  	[smem:$0x3FB9] =	sst s0;
	s0 =	simm.s32 @!p2 $0x0  }
0x16: {  	s3 =	sld [smem:$0x3FDB];
	s0 =	simm.s32 @p2 $0x1  }
0x17: {  	s4 =	simm.s32 $0x1BF5;
	[smem:$0x3FBB] =	sst s0  }
0x18: {  	s0 =	sld [smem:$0x3F9E];
	_ =	swait.ge [sflag:s4], $0x0  }
0x19: {  	s7 =	sld [smem:$0x3F9F]  }
0x1a: {  	s8 =	sadd.s32 $0xFFFFE003, lr  }
0x1b: {  	s9 =	sadd.s32 $0xFFFFFEF7, lr;
	s5 =	simm.s32 $0xFFFFFFFF;
	p2 =	slt.u32 s8, $0xFFFFF086  }
0x1c: {  	p1 =	slt.u32 s9, $0xF7A;
	s5 =	simm.s32 @!p2 $0x0  }
0x1d: {  	s5 =	simm.s32 @p1 $0x1;
	p0 =	seq.s32 s7, s2  }
0x1e: {  	s7 =	smul.u32 @!p0 $0xF7A, s2;
	p2 =	seq.s32 @!p0 s5, $0x0  }
0x1f: {  	s9 =	smul.u32 $0xF7A, s1;
	s8 =	simm.s32 @!p0 $0x1BF5;
	p2 =	por !p2, p0  }
0x20: {  	[sflag:s8] =	ssyncset.s32 @!p0 $0xFFFFF086;
	s6 =	sadd.s32 @!p0 s3, s7;
	s7 =	simm.s32 @!p0 $0x108  }
0x21: {  	s3 =	sadd.s32 s3, s9;
	s6 =	sadd.s32 @!p0 $0x88, s6;
	s7 =	simm.s32 @p2 $0x1082  }
0x22: {  	[simem:s7], [sflag:s8] =	dma.local @!p0 [hbm:s6], $0xF7A  }
0x23: {  	s9 =	sor.u32 $0xD0000000, s2;
	s6 =	simm.s32 $0x108;
	_ =	swait.ge @!p0 [sflag:s8], $0x0  }
0x24: {  	s3 =	sadd.s32 $0x88, s3;
	s6 =	simm.s32 @!p1 $0x1082;
	[sflag:s4] =	ssyncset.s32 $0xFFFFF086  }
0x25: {  	[simem:s6], [sflag:s4] =	dma.local [hbm:s3], $0xF7A  }
0x26: {  	[smem:$0x3F9F] =	sst s1;
	(tag) =	ssettag s2;
	_ =	strace s9  }
0x27: {  	s1 =	sld [smem:$0x3FAF]  }
0x28: {  	s2 =	sld [smem:$0x3FB0]  }
0x29: {  	s4 =	sld [smem:$0x3FB2]  }
0x2a: {  	p0 =	seq.s32 s5, $0x0;
	s5 =	sld [smem:$0x3FB3]  }
0x2b: {  	s6 =	sld [smem:$0x3FB4]  }
0x2c: {  	s7 =	sld [smem:$0x3FB5]  }
0x2d: {  	s3 =	simm.s32 $0x108;
	s8 =	sld [smem:$0x3FB6]  }
0x2e: {  	s3 =	simm.s32 @!p0 $0x1082;
	s9 =	sld [smem:$0x3FB7]  }
0x2f: {  	lr =	sadd.s32 s0, s3;
	s0 =	sld [smem:$0x3FAE]  }
0x30: {  	s3 =	sld [smem:$0x3FB1]  }
0x31: {  	[smem:$0x3FBA] =	sst s10  }
0x32: {  	s10 =	sld [smem:$0x3FB8];
	_ =	sdelay $0x3  }
0x33: {  	p0 =	seq.s32 s10, $0x1;
	s10 =	sld [smem:$0x3FBA];
	_ =	sdelay $0x3  }
0x34: {  	[smem:$0x3FBA] =	sst s10  }
0x35: {  	s10 =	sld [smem:$0x3FB9];
	_ =	sdelay $0x3  }
0x36: {  	p1 =	seq.s32 s10, $0x1;
	s10 =	sld [smem:$0x3FBA];
	_ =	sdelay $0x3  }
0x37: {  	[smem:$0x3FBA] =	sst s10  }
0x38: {  	s10 =	sld [smem:$0x3FBB]  }
0x39: {  	_ = 	snop;
	(pc) =	sbr.ind lr, $3  }
0x3a: {  	_ = 	snop  }
0x3b: {  	_ = 	snop  }
0x3c: {  	p2 =	seq.s32 s10, $0x1;
	s10 =	sld [smem:$0x3FBA]  }
0x3d: {  	_ =	shalt  }
0x3e: {  	_ =	shalt  }
0x3f: {  	_ =	shalt  }
0x40: {  	_ =	shalt  }
0x41: {  	_ =	shalt  }
0x42: {  	_ =	shalt  }
0x43: {  	_ =	shalt  }
0x44: {  	_ =	shalt  }
0x45: {  	_ =	shalt  }
0x46: {  	_ =	shalt  }
0x47: {  	_ =	shalt  }
0x48: {  	_ =	shalt  }
0x49: {  	_ =	shalt  }
0x4a: {  	_ =	shalt  }
0x4b: {  	_ =	shalt  }
0x4c: {  	_ =	shalt  }
0x4d: {  	_ =	shalt  }
0x4e: {  	_ =	shalt  }
0x4f: {  	_ =	shalt  }
0x50: {  	_ =	shalt  }
0x51: {  	_ =	shalt  }
0x52: {  	_ =	shalt  }
0x53: {  	_ =	shalt  }
0x54: {  	_ =	shalt  }
0x55: {  	_ =	shalt  }
0x56: {  	_ =	shalt  }
0x57: {  	_ =	shalt  }
0x58: {  	_ =	shalt  }
0x59: {  	_ =	shalt  }
0x5a: {  	_ =	shalt  }
0x5b: {  	_ =	shalt  }
0x5c: {  	_ =	shalt  }
0x5d: {  	_ =	shalt  }
0x5e: {  	_ =	shalt  }
0x5f: {  	_ =	shalt  }
0x60: {  	_ =	shalt  }
0x61: {  	_ =	shalt  }
0x62: {  	_ =	shalt  }
0x63: {  	_ =	shalt  }
0x64: {  	_ =	shalt  }
0x65: {  	_ =	shalt  }
0x66: {  	_ =	shalt  }
0x67: {  	_ =	shalt  }
0x68: {  	_ =	shalt  }
0x69: {  	_ =	shalt  }
0x6a: {  	_ =	shalt  }
0x6b: {  	_ =	shalt  }
0x6c: {  	_ =	shalt  }
0x6d: {  	_ =	shalt  }
0x6e: {  	_ =	shalt  }
0x6f: {  	_ =	shalt  }
0x70: {  	_ =	shalt  }
0x71: {  	_ =	shalt  }
0x72: {  	_ =	shalt  }
0x73: {  	_ =	shalt  }
0x74: {  	_ =	shalt  }
0x75: {  	_ =	shalt  }
0x76: {  	_ =	shalt  }
0x77: {  	_ =	shalt  }
0x78: {  	_ =	shalt  }
0x79: {  	_ =	shalt  }
0x7a: {  	_ =	shalt  }
0x7b: {  	_ =	shalt  }
0x7c: {  	_ =	shalt  }
0x7d: {  	_ =	shalt  }
0x7e: {  	_ =	shalt  }
0x7f: {  	_ =	shalt  }
0x80: {  	_ =	shalt  }
0x81: {  	_ =	shalt  }
0x82: {  	_ =	shalt  }
0x83: {  	_ =	shalt  }
0x84: {  	_ =	shalt  }
0x85: {  	_ =	shalt  }
0x86: {  	_ =	shalt  }
0x87: {  	_ =	shalt  }
.Lfunc_end0:
.L_simem_size_0:
called_computation_lowered:
.L_overlay_start_0:
0x88: {  	s2 =	sld [smem:$0x3FD9]  }
0x89: {  	s3 =	sld [smem:$0x3FFE];
	_ =	sdelay $0x1  }
0x8a: {  	s1 =	srdreg.scid  }
0x8b: {  	s0 =	sand.u32 $0x1, s1  }
0x8c: {  	s14 =	sshll.u32 s0, $0xA;
	s2 =	sadd.s32 s3, s2  }
0x8d: {  	s2 =	sadd.s32 s2, s14  }
0x8e: {  	[smem:$0x3FC6] =	sst s2  }
0x8f: {  	_ = 	snop  }
0x90: {  	s2 =	sld [smem:$0x3FD0];
	_ =	sdelay $0x1  }
0x91: {  	s15 =	sld [smem:$0x3FC9]  }
0x92: {  	s5 =	simm.s32 $0xA;
	s6 =	simm.s32 $0x10;
	s4 =	sld [smem:$0x3FC8]  }
0x93: {  	[smem:s6], [sflag:s5] =	dma.local [hbm:s2], $0x1  }
0x94: {  	_ =	swait.eq [sflag:s5], $0x1  }
0x95: {  	[sflag:s5] =	ssyncset.done $0x0  }
0x96: {  	s16 =	sld [smem:$0x10];
	[sflag:s5] =	ssyncadd.s32 $0xFFFFFFFF  }
0x97: {  	s17 =	sld [smem:$0x11];
	(tm) =	ssettm $0x1  }
0x98: {  	s18 =	sld [smem:$0x3FFB];
	_ =	sdelay $0x3  }
0x99: {  	_ =	strace s18  }
0x9a: {  	s6 =	sld [smem:$0x3FFC];
	_ =	sdelay $0x3  }
0x9b: {  	_ =	strace s6  }
0x9c: {  	s6 =	sld [smem:$0x3FFD];
	_ =	sdelay $0x3  }
0x9d: {  	_ =	strace s6  }
0x9e: {  	_ =	strace $0x8FFFFFFF  }
0x9f: {  	s19 =	sld [smem:$0x3FDB];
	_ =	sdelay $0x1  }
0xa0: {  	s7 =	simm.s32 $_scs_section_size  }
0xa1: {  	s8 =	simm.s32 $_size__tile_overlayer_lowered;
	s9 =	simm.s32 $_tile_overlayer_lowered  }
0xa2: {  	s22 =	simm.s32 $0x1BFF;
	s21 =	sshll.u32 s9, $0x1;
	s6 =	sadd.s32 s7, s19  }
0xa3: {  	s10 =	simm.s32 $0x0;
	s20 =	sshll.u32 s8, $0x1;
	s8 =	sadd.s32 s21, s6  }
0xa4: {  	[timem:s10], [sflag:s22] =	dma.local [hbm:s8], s20  }
0xa5: {  	_ =	swait.ge [sflag:s22], s20  }
0xa6: {  	s7 =	ssub.s32 $0x0, s20;
	[sflag:s22] =	ssyncset.done $0x0  }
0xa7: {  	[sflag:s22] =	ssyncadd.s32 s7;
	_ =	sdelay $0x1  }
0xa8: {  	s23 =	simm.s32 $0x1B8B  }
0xa9: {  	_ =	swait.ge [sflag:s23], $0x1  }
0xaa: {  	[sflag:s23] =	ssyncset.done $0x0  }
0xab: {  	s25 =	simm.s32 $0x1B8E;
	s24 =	sld [smem:$0x3FFE];
	[sflag:s23] =	ssyncadd.s32 $0xFFFFFFFF  }
0xac: {  	s26 =	simm.s32 $execute0_lowered;
	[smem:$0x3FD2] =	sst s25  }
0xad: {  	s8 =	sshll.u32 s26, $0x1;
	_ =	strace $0x80000046;
	[dreg:$0x1] =	wrdreg $0xFFFFFFFF  }
0xae: {  	s28 =	simm.s32 $_size_execute0_lowered;
	s6 =	sadd.s32 s6, s8;
	[dreg:$0x0] =	wrdreg $0x0  }
0xaf: {  	s8 =	sshll.u32 s28, $0x1;
	[dreg:$0x2] =	wrdreg s6  }
0xb0: {  	[dreg:$0x3] =	wrdreg s8  }
0xb1: {  	[dreg:$0x4] =	wrdreg $0xC0  }
0xb2: {  	_ =	task [dreg:s10], $0x5FFFF  }
0xb3: {  	[dreg:$0x1] =	wrdreg $0xFFFFFFFF  }
0xb4: {  	[dreg:$0x0] =	wrdreg $0x60  }
0xb5: {  	[dreg:$0x2] =	wrdreg s24  }
0xb6: {  	[dreg:$0x3] =	wrdreg s4  }
0xb7: {  	[dreg:$0x4] =	wrdreg s15  }
0xb8: {  	[dreg:$0x5] =	wrdreg s16  }
0xb9: {  	[dreg:$0x6] =	wrdreg s17  }
0xba: {  	[dreg:$0x7] =	wrdreg $0x22000  }
0xbb: {  	[dreg:$0x8] =	wrdreg $0x22100  }
0xbc: {  	[dreg:$0x9] =	wrdreg $0x9  }
0xbd: {  	_ =	task.clear_ibuf [dreg:s10], $0xAFFFF;
	_ =	strace $0x90000046  }
0xbe: {  	s29 =	simm.s32 $0x9;
	_ =	strace $0x80000048  }
0xbf: {  	_ =	swait.ge [sflag:s29], $0x1  }
0xc0: {  	[sflag:s29] =	ssyncadd.s32 $0xFFFFFFFF  }
0xc1: {  	_ =	strace $0x90000048  }
0xc2: {  	_ =	sfence  }
0xc3: {  	s30 =	sld [smem:$0x0];
	_ =	sdelay $0x2  }
0xc4: {  	s31 =	sshll.u32 s1, $0xD;
	s1 =	sshrl.u32 s1, $0x2  }
0xc5: {  	s3 =	sand.u32 $0x4000, s31;
	s1 =	sadd.s32 s1, s30  }
0xc6: {  	s0 =	sor.u32 s3, s0;
	s1 =	sshll.u32 s1, $0x11  }
0xc7: {  	s0 =	sor.u32 s1, s0  }
0xc8: {  	s0 =	sadd.s32 $0x8F2B, s0  }
0xc9: {  	[sflag:s0] =	ssyncadd.remote.s32 $0x1  }
0xca: {  	_ =	sfence.sel $0xFFFF  }
0xcb: {  	[dreg:$0x0] =	wrdreg $0xFFFFFFFF;
	(pc) =	sbr.abs _section_cstart, $3  }
0xcc: {  	[dreg:$0x1] =	wrdreg $0xFFFFFFFF  }
0xcd: {  	_ =	task.clear_ibuf [dreg:s10], $0x2FFFF;
	_ =	strace $0x9FFFFFFF  }
0xce: {  	(tm) =	ssettm $0x7FFFFFFF  }
0xcf: {  	_ =	shalt  }
tec
execute0_lowered:
.L_overlay_start_1:
0x0: {  	(tag) =	ssettag $0x1  }
0x1: {  	s0 =	rddreg [dreg:$0x0]  }
0x2: {  	s5 =	rddreg [dreg:$0x2]  }
0x3: {  	s3 =	rddreg [dreg:$0x3]  }
0x4: {  	s6 =	rddreg [dreg:$0x5]  }
0x5: {  	s12 =	rddreg [dreg:$0x6];
	s1 =	srdreg.scid  }
0x6: {  	s8 =	simm.s32 $0x0;
	s7 =	stileid.u32;
	s30 =	simm.s32 $0x2  }
0x7: {  	s1 =	sand.u32 $0x1, s1;
	[smem:$0x7FF] =	sst s8;
	s2 =	sshll.u32 s7, $0x6  }
0x8: {  	s9 =	sshll.u32 s7, $0x9;
	s25 =	sshll.u32 s7, $0x4;
	s31 =	sadd.s32 $0x100, s5  }
0x9: {  	s14 =	sadd.s32 $0x200, s5;
	s15 =	sadd.s32 $0x300, s5;
	s16 =	sadd.s32 $0x400, s5  }
0xa: {  	s17 =	sadd.s32 $0x500, s5;
	s18 =	sadd.s32 $0x600, s5;
	s19 =	sadd.s32 $0x700, s5  }
0xb: {  	s20 =	sadd.s32 $0x800, s5;
	s21 =	sadd.s32 $0x900, s5;
	s22 =	sadd.s32 $0xA00, s5  }
0xc: {  	s23 =	sadd.s32 $0xB00, s5;
	s28 =	sadd.s32 $0xE00, s5;
	s29 =	sadd.s32 $0xF00, s5  }
0xd: {  	s4 =	ssub.s32 $0x2, s1;
	_ =	strace $0x80000047;
	s0 =	sadd.s32 s2, s0  }
.Ltmp0:
0xe: {  	s11 =	sadd.s32 s25, s6;
	s12 =	sadd.s32 s25, s12;
	(pc) =	sbr.rel .LBB2_1-.Ltmp0, $4  }
0xf: {  	s26 =	sor.u32 s1, s7;
	[dreg:$0x8] =	wrdreg s31;
	s6 =	simm.s32 $0x200  }
0x10: {  	v0 =	vlaneseq.u32;
	vm2 =	vmmov $0x1;
	v1 =	vimm.s32 $0x0;
	s1 =	simm.s32 $0x0;
	s24 =	sshrl.u32 s4, $0x1;
	s10 =	sadd.s32 $0x800, s0  }
0x11: {  	vm0 =	vmxor vm0, vm0;
	vm1 =	vcmask $0xB08;
	v1 =	vsel vm2, $0xFFFFFFFF, v1;
	p0 =	sne.s32 s26, $0x0;
	s26 =	sadd.s32 $0xD00, s5;
	s2 =	ssub.s32 s4, s24  }
0x12: {  	vm6 =	vcmask $0x3F08;
	vm3 =	vcmask $0x300;
	vm7 =	vcmask $0x704;
	[tilespmem:$0x1FFF0] =	vst v1;
	s0 =	simm.s32 $0x4000;
	s24 =	sadd.s32 $0xC00, s5;
	s25 =	smax.u32 s2, $0x1  }
.LBB2_22:
0x13: {  	[hbm4b:s7+s8] =	stream.linear.scatter [tilespmem:s4], [sflag:$0x2], $0x180, $0x38;
	[tilespmem:$0x12520] =	vst v63  }
0x14: {  	_ =	swait.ge [sflag:s30], $0x3000  }
0x15: {  	[sflag:s30] =	ssyncset.done $0x0  }
0x16: {  	[sflag:s30] =	ssyncadd.s32 $0xFFFFD000  }
.LBB2_23:
0x17: {  	s1 =	sadd.s32 $0x1, s1  }
0x18: {  	p1 =	sne.s32 s1, s25  }
.Ltmp1:
0x19: {  	_ = 	snop;
	(pc) =	sbr.rel @!p1 .LBB2_24-.Ltmp1, $1  }
0x1a: {  	_ =	sdelay $0x3  }
.LBB2_1:
0x1b: {  	[tilespmem:s8], [sflag:$0x2] =	stream.linear.gather [hbm4b:s10+s8], $0x200, $0x38;
	[tilespmem:$0x12520] =	vst v63  }
0x1c: {  	_ =	swait.ge [sflag:s30], $0x200  }
0x1d: {  	[sflag:s30] =	ssyncset.done $0x0  }
0x1e: {  	s2 =	simm.s32 $0x0;
	[sflag:s30] =	ssyncadd.s32 $0xFFFFFE00  }
0x1f: {  	v3 =	vld [tilespmem:s2+$0x0];
	_ =	sdelay $0x3  }
0x20: {  	v1 =	vimm.f32 $-1.000000000e+00;
	v2 =	vimm.s32 $0x0;
	s4 =	simm.s32 $0x40;
	s2 =	smov.u32 s9  }
.LBB2_2:
0x21: {  	s5 =	sshra.s32 s4, $0x2;
	p1 =	sne.s32 s4, $0x7C0;
	s4 =	sadd.s32 $0x40, s4;
	v4 =	vor.u32 s2, v0;
	vm4 =	vgt.f32 v3, v1  }
.Ltmp2:
0x22: {  	v1 =	vsel vm4, v3, v1;
	v3 =	vld [tilespmem:s5+$0x0];
	v2 =	vsel vm4, v4, v2;
	(pc) =	sbr.rel @p1 .LBB2_2-.Ltmp2, $2  }
0x23: {  	_ =	sdelay $0x2  }
0x24: {  	s2 =	sadd.s32 $0x10, s2  }
0x25: {  	vm4 =	vgt.f32 v3, v1  }
0x26: {  	v3 =	vsel vm4, v3, v1  }
0x27: {  	(xrf0) =	vmax.scan.msk.f32 $0xffff, v3;
	_ =	sdelay $0x5  }
0x28: {  	v1, _, _ =	vpop (xrf0)  }
0x29: {  	(v2sf) =	vpush v1, $0xF;
	_ =	sdelay $0xe  }
0x2a: {  	s4 =	spop (v2sf)  }
0x2b: {  	v1 =	vbroadcast v1, $0xF;
	p1 =	sgt.f32 s4, $-1.000000000e+00  }
0x2c: {  	v4 =	vor.u32 s2, v0;
	vm5 =	vmmov vm0  }
0x2d: {  	v2 =	vsel vm4, v4, v2;
	vm4 =	veq.f32 v3, v1;
	vm5 =	vmneg @p1 vm5  }
0x2e: {  	v2 =	vxor.u32 $0x80000000, v2;
	vm4 =	vmand vm4, vm5  }
0x2f: {  	v2 =	vnsel vm4, $0xFFFFFFFF, v2  }
0x30: {  	(xrf0) =	vmin.scan.msk.u32 $0xffff, v2;
	_ =	sdelay $0x5  }
0x31: {  	v2, _, _ =	vpop (xrf0)  }
0x32: {  	(v2sf) =	vpush v2, $0xF;
	_ =	sdelay $0xc  }
0x33: {  	s31 =	simm.s32 $0x0  }
0x34: {  	v6 =	vld [tilespmem:s31+$0x0]  }
0x35: {  	s13 =	spop (v2sf)  }
0x36: {  	s2 =	sxor.u32 $0x80000000, s13  }
0x37: {  	v5 =	vor.u32 s9, v0;
	v2 =	vmov s2  }
0x38: {  	v4 =	vimm.s32 $0x0;
	v3 =	vimm.f32 $-1.000000000e+00;
	s4 =	smov.u32 s9;
	s2 =	simm.s32 $0x40;
	vm4 =	veq.s32 v5, v2  }
.LBB2_4:
0x39: {  	s5 =	sshra.s32 s2, $0x2;
	p1 =	sne.s32 s2, $0x7C0;
	s2 =	sadd.s32 $0x40, s2;
	v7 =	vsel vm4, $0xBF800000, v6  }
.Ltmp3:
0x3a: {  	v6 =	vld [tilespmem:s5+$0x0];
	vm4 =	vgt.f32 v7, v3;
	(pc) =	sbr.rel @p1 .LBB2_4-.Ltmp3, $4  }
0x3b: {  	v3 =	vsel vm4, v7, v3;
	v4 =	vsel vm4, v5, v4  }
0x3c: {  	s4 =	sadd.s32 $0x10, s4  }
0x3d: {  	v5 =	vor.u32 s4, v0  }
0x3e: {  	vm4 =	veq.s32 v5, v2  }
0x3f: {  	v6 =	vsel vm4, $0xBF800000, v6  }
0x40: {  	vm4 =	vgt.f32 v6, v3  }
0x41: {  	v6 =	vsel vm4, v6, v3  }
0x42: {  	(xrf0) =	vmax.scan.msk.f32 $0xffff, v6;
	_ =	sdelay $0x5  }
0x43: {  	v3, _, _ =	vpop (xrf0)  }
0x44: {  	(v2sf) =	vpush v3, $0xF;
	_ =	sdelay $0xe  }
0x45: {  	s2 =	spop (v2sf)  }
0x46: {  	v3 =	vbroadcast v3, $0xF;
	p1 =	sgt.f32 s2, $-1.000000000e+00  }
0x47: {  	vm5 =	vmmov vm0  }
0x48: {  	v4 =	vsel vm4, v5, v4;
	vm4 =	veq.f32 v6, v3;
	vm5 =	vmneg @p1 vm5  }
0x49: {  	v4 =	vxor.u32 $0x80000000, v4;
	vm4 =	vmand vm4, vm5  }
0x4a: {  	v4 =	vnsel vm4, $0xFFFFFFFF, v4  }
0x4b: {  	(xrf0) =	vmin.scan.msk.u32 $0xffff, v4;
	_ =	sdelay $0x5  }
0x4c: {  	v4, _, _ =	vpop (xrf0)  }
0x4d: {  	(v2sf) =	vpush v4, $0xF;
	_ =	sdelay $0xd  }
0x4e: {  	s5 =	simm.s32 $0x0  }
0x4f: {  	v8 =	vld [tilespmem:s5+$0x0];
	s31 =	spop (v2sf)  }
0x50: {  	s4 =	sxor.u32 $0x80000000, s31  }
0x51: {  	v4 =	vor.u32 s9, v0;
	v6 =	vmov s4  }
0x52: {  	vm4 =	veq.s32 v4, v2;
	vm5 =	veq.s32 v4, v6  }
0x53: {  	v7 =	vimm.f32 $-1.000000000e+00;
	s5 =	smov.u32 s9;
	v5 =	vimm.s32 $0x0;
	s2 =	simm.s32 $0x40;
	vm4 =	vmor vm5, vm4  }
.LBB2_6:
0x54: {  	s7 =	sshra.s32 s2, $0x2;
	p1 =	sne.s32 s2, $0x7C0;
	s2 =	sadd.s32 $0x40, s2;
	v9 =	vsel vm4, $0xBF800000, v8  }
.Ltmp4:
0x55: {  	v8 =	vld [tilespmem:s7+$0x0];
	vm4 =	vgt.f32 v9, v7;
	(pc) =	sbr.rel @p1 .LBB2_6-.Ltmp4, $4  }
0x56: {  	s5 =	sadd.s32 $0x10, s5;
	v7 =	vsel vm4, v9, v7;
	v5 =	vsel vm4, v4, v5  }
0x57: {  	v4 =	vor.u32 s5, v0  }
0x58: {  	vm4 =	veq.s32 v4, v2;
	vm5 =	veq.s32 v4, v6  }
0x59: {  	vm4 =	vmor vm5, vm4  }
0x5a: {  	v6 =	vsel vm4, $0xBF800000, v8  }
0x5b: {  	vm4 =	vgt.f32 v6, v7  }
0x5c: {  	v6 =	vsel vm4, v6, v7  }
0x5d: {  	(xrf0) =	vmax.scan.msk.f32 $0xffff, v6;
	_ =	sdelay $0x5  }
0x5e: {  	v62, _, _ =	vpop (xrf0)  }
0x5f: {  	(v2sf) =	vpush v62, $0xF;
	_ =	sdelay $0xe  }
0x60: {  	s2 =	spop (v2sf)  }
0x61: {  	v7 =	vbroadcast v62, $0xF;
	p1 =	sgt.f32 s2, $-1.000000000e+00  }
0x62: {  	vm5 =	vmmov vm0  }
0x63: {  	v4 =	vsel vm4, v4, v5;
	vm4 =	veq.f32 v6, v7;
	vm5 =	vmneg @p1 vm5  }
0x64: {  	v4 =	vxor.u32 $0x80000000, v4;
	vm4 =	vmand vm4, vm5  }
0x65: {  	v4 =	vnsel vm4, $0xFFFFFFFF, v4  }
0x66: {  	(xrf0) =	vmin.scan.msk.u32 $0xffff, v4;
	_ =	sdelay $0x5  }
0x67: {  	v4, _, _ =	vpop (xrf0)  }
0x68: {  	(v2sf) =	vpush v4, $0xF;
	_ =	sdelay $0x9  }
0x69: {  	v63 =	vnsel vm1, $0xBF800000, v7  }
0x6a: {  	v3 =	vsel vm6, v63, v3  }
0x6b: {  	v1 =	vsel vm2, v1, v3  }
0x6c: {  	[tilespmem:$0x0] =	vst v1  }
0x6d: {  	[spmem:s11] =	stream.linear.scatter [tilespmem:s8], [sflag:$0x2], $0x10, $0x38;
	[tilespmem:$0x12520] =	vst v63  }
0x6e: {  	s31 =	spop (v2sf)  }
0x6f: {  	v1 =	vnsel vm3, $0x0, v2;
	_ =	swait.ge [sflag:s30], $0x10  }
0x70: {  	v1 =	vsel vm7, s4, v1;
	s2 =	sxor.u32 $0x80000000, s31;
	[sflag:s30] =	ssyncset.done $0x0  }
0x71: {  	v1 =	vsel vm1, s2, v1;
	[sflag:s30] =	ssyncadd.s32 $0xFFFFFFF0  }
0x72: {  	[tilespmem:$0x0] =	vst v1  }
0x73: {  	[spmem:s12] =	stream.linear.scatter [tilespmem:s8], [sflag:$0x2], $0x10, $0x38;
	[tilespmem:$0x12520] =	vst v63  }
.Ltmp5:
0x74: {  	_ =	swait.ge [sflag:s30], $0x10;
	(pc) =	sbr.rel @p0 .LBB2_23-.Ltmp5, $3  }
0x75: {  	[sflag:s30] =	ssyncset.done $0x0  }
0x76: {  	[sflag:s30] =	ssyncadd.s32 $0xFFFFFFF0  }
0x77: {  	[bflag:$0x0] =	sbarrier.arrive $0xFFFF;
	_ =	sdelay $0x1  }
0x78: {  	s2 =	rddreg [dreg:$0x5];
	s4 =	simm.s32 $0x2220  }
0x79: {  	[tilespmem:s4], [sflag:$0x2] =	stream.linear.gather [spmem:s2], $0x100, $0x38;
	[tilespmem:$0x12520] =	vst v63  }
0x7a: {  	_ =	swait.ge [sflag:s30], $0x100  }
0x7b: {  	[sflag:s30] =	ssyncset.done $0x0  }
0x7c: {  	[sflag:s30] =	ssyncadd.s32 $0xFFFFFF00  }
0x7d: {  	s31 =	simm.s32 $0x2320;
	s13 =	rddreg [dreg:$0x6]  }
0x7e: {  	[tilespmem:s31], [sflag:$0x2] =	stream.linear.gather [spmem:s13], $0x100, $0x38;
	[tilespmem:$0x12520] =	vst v63  }
0x7f: {  	_ =	swait.ge [sflag:s30], $0x100  }
0x80: {  	[sflag:s30] =	ssyncset.done $0x0  }
0x81: {  	[sflag:s30] =	ssyncadd.s32 $0xFFFFFF00  }
0x82: {  	v1 =	vld [tilespmem:$0x2220];
	_ =	sdelay $0x1  }
0x83: {  	v2 =	vld [tilespmem:$0x2230];
	_ =	sdelay $0x1  }
0x84: {  	v3 =	vld [tilespmem:$0x2240]  }
0x85: {  	vm1 =	vmmov vm3;
	vm3 =	vmmov vm6;
	vm6 =	vgt.f32 v1, $-1.000000000e+00  }
0x86: {  	v4 =	vld [tilespmem:$0x2250];
	v1 =	vnsel vm6, $0xBF800000, v1  }
0x87: {  	vm0 =	vmmov vm7;
	vm7 =	vgt.f32 v2, v1  }
0x88: {  	v1 =	vsel vm7, v2, v1;
	v2 =	vld [tilespmem:$0x2260]  }
0x89: {  	vm8 =	vgt.f32 v3, v1  }
0x8a: {  	v1 =	vsel vm8, v3, v1;
	v3 =	vld [tilespmem:$0x2270]  }
0x8b: {  	vm9 =	vgt.f32 v4, v1  }
0x8c: {  	v1 =	vsel vm9, v4, v1;
	v4 =	vld [tilespmem:$0x2280]  }
0x8d: {  	vm10 =	vgt.f32 v2, v1  }
0x8e: {  	v1 =	vsel vm10, v2, v1;
	v2 =	vld [tilespmem:$0x2290]  }
0x8f: {  	vm11 =	vgt.f32 v3, v1  }
0x90: {  	v1 =	vsel vm11, v3, v1;
	v3 =	vld [tilespmem:$0x22A0]  }
0x91: {  	vm12 =	vgt.f32 v4, v1  }
0x92: {  	v1 =	vsel vm12, v4, v1;
	v4 =	vld [tilespmem:$0x22B0]  }
0x93: {  	v5 =	vld [tilespmem:$0x2320];
	vm13 =	vgt.f32 v2, v1  }
0x94: {  	v1 =	vsel vm13, v2, v1;
	v2 =	vld [tilespmem:$0x22C0]  }
0x95: {  	v6 =	vld [tilespmem:$0x2330];
	vm14 =	vgt.f32 v3, v1  }
0x96: {  	v1 =	vsel vm14, v3, v1;
	v3 =	vld [tilespmem:$0x22D0]  }
0x97: {  	v7 =	vld [tilespmem:$0x2340];
	vm15 =	vgt.f32 v4, v1  }
0x98: {  	v1 =	vsel vm15, v4, v1;
	v4 =	vld [tilespmem:$0x22E0]  }
0x99: {  	v8 =	vld [tilespmem:$0x2350];
	vm4 =	vgt.f32 v2, v1  }
0x9a: {  	v1 =	vsel vm4, v2, v1;
	v2 =	vld [tilespmem:$0x22F0]  }
0x9b: {  	v9 =	vld [tilespmem:$0x2360];
	vm5 =	vgt.f32 v3, v1  }
0x9c: {  	v1 =	vsel vm5, v3, v1;
	v3 =	vld [tilespmem:$0x2300]  }
0x9d: {  	v10 =	vld [tilespmem:$0x2370];
	vm2 =	vgt.f32 v4, v1  }
0x9e: {  	v5 =	vnsel vm6, $0x0, v5;
	v1 =	vsel vm2, v4, v1;
	v4 =	vld [tilespmem:$0x2310]  }
0x9f: {  	v57 =	vld [tilespmem:$0x2380];
	v5 =	vsel vm7, v6, v5;
	vm6 =	vgt.f32 v2, v1  }
0xa0: {  	v5 =	vsel vm8, v7, v5;
	v1 =	vsel vm6, v2, v1;
	v2 =	vld [tilespmem:$0x2390]  }
0xa1: {  	v58 =	vld [tilespmem:$0x23A0];
	v5 =	vsel vm9, v8, v5;
	vm7 =	vgt.f32 v3, v1  }
0xa2: {  	v5 =	vsel vm10, v9, v5;
	v1 =	vsel vm7, v3, v1;
	v3 =	vld [tilespmem:$0x23B0]  }
0xa3: {  	v59 =	vld [tilespmem:$0x23C0];
	v5 =	vsel vm11, v10, v5;
	vm8 =	vgt.f32 v4, v1  }
0xa4: {  	v5 =	vsel vm12, v57, v5;
	v4 =	vsel vm8, v4, v1;
	v1 =	vld [tilespmem:$0x23D0]  }
0xa5: {  	v2 =	vsel vm13, v2, v5;
	v5 =	vld [tilespmem:$0x23E0];
	(xrf0) =	vmax.scan.msk.f32 $0xffff, v4  }
0xa6: {  	v60 =	vld [tilespmem:$0x23F0];
	v2 =	vsel vm14, v58, v2  }
0xa7: {  	v2 =	vsel vm15, v3, v2;
	v3 =	vld [tilespmem:$0x2400]  }
0xa8: {  	v61 =	vld [tilespmem:$0x2410];
	v2 =	vsel vm4, v59, v2  }
0xa9: {  	v1 =	vsel vm5, v1, v2  }
0xaa: {  	v1 =	vsel vm2, v5, v1  }
0xab: {  	v1 =	vsel vm6, v60, v1;
	v2, _, _ =	vpop (xrf0)  }
0xac: {  	v3 =	vsel vm7, v3, v1;
	v1 =	vbroadcast v2, $0xF  }
0xad: {  	v2 =	vsel vm8, v61, v3  }
0xae: {  	vm2 =	veq.f32 v4, v1;
	v2 =	vxor.u32 $0x80000000, v2  }
0xaf: {  	v2 =	vnsel vm2, $0xFFFFFFFF, v2  }
0xb0: {  	(xrf0) =	vmin.scan.msk.u32 $0xffff, v2;
	_ =	sdelay $0x4  }
0xb1: {  	s13 =	simm.s32 $0x20  }
0xb2: {  	s5 =	simm.s32 $0x0;
	v62 =	vld [tilespmem:s13+$0x2220];
	v2, _, _ =	vpop (xrf0)  }
0xb3: {  	v3 =	vld [tilespmem:s5+$0x2320];
	(v2sf) =	vpush v2, $0xF  }
0xb4: {  	s7 =	simm.s32 $0x10;
	v2 =	vld [tilespmem:s5+$0x2220]  }
0xb5: {  	v5 =	vld [tilespmem:s7+$0x2320]  }
0xb6: {  	v4 =	vld [tilespmem:s7+$0x2220]  }
0xb7: {  	v63 =	vld [tilespmem:s13+$0x2320];
	_ =	sdelay $0x1  }
0xb8: {  	vm2 =	veq.f32 v2, v1;
	v2 =	vxor.u32 $0x80000000, v3  }
0xb9: {  	v2 =	vnsel vm2, $0xFFFFFFFF, v2  }
0xba: {  	s31 =	simm.s32 $0x30;
	v3 =	vxor.u32 $0x80000000, v5;
	vm2 =	veq.f32 v4, v1;
	(xrf0) =	vmin.scan.msk.u32 $0xffff, v2  }
0xbb: {  	v4 =	vld [tilespmem:s31+$0x2320];
	v2 =	vnsel vm2, $0xFFFFFFFF, v3;
	vm2 =	veq.f32 v62, v1;
	v3 =	vxor.u32 $0x80000000, v63  }
0xbc: {  	(xrf0) =	vmin.scan.msk.u32 $0xffff, v2;
	v3 =	vnsel vm2, $0xFFFFFFFF, v3  }
0xbd: {  	v2 =	vld [tilespmem:s31+$0x2220];
	(xrf0) =	vmin.scan.msk.u32 $0xffff, v3;
	_ =	sdelay $0x2  }
0xbe: {  	v4 =	vxor.u32 $0x80000000, v4;
	v3, _, _ =	vpop (xrf0)  }
0xbf: {  	s4 =	spop (v2sf);
	(v2sf) =	vpush v3, $0xF  }
0xc0: {  	vm2 =	veq.f32 v2, v1;
	v3, _, _ =	vpop (xrf0)  }
0xc1: {  	(v2sf) =	vpush v3, $0xF;
	v3 =	vnsel vm2, $0xFFFFFFFF, v4;
	v4, _, _ =	vpop (xrf0)  }
0xc2: {  	(v2sf) =	vpush v4, $0xF;
	_ =	sdelay $0x4  }
0xc3: {  	s5 =	simm.s32 $0x40  }
0xc4: {  	v2 =	vld [tilespmem:s5+$0x2220]  }
0xc5: {  	(xrf0) =	vmin.scan.msk.u32 $0xffff, v3;
	v3 =	vld [tilespmem:s5+$0x2320];
	_ =	sdelay $0x1  }
0xc6: {  	s2 =	simm.s32 $0x140;
	s4 =	sxor.u32 $0x80000000, s4  }
.LBB2_9:
0xc7: {  	s5 =	smov.u32 s4;
	p1 =	seq.s32 s2, $0x3C0  }
.Ltmp6:
0xc8: {  	s4 =	sshra.s32 s2, $0x2;
	(pc) =	sbr.rel @!p1 .LBB2_9-.Ltmp6, $4  }
0xc9: {  	s2 =	sadd.s32 $0x40, s2;
	vm2 =	veq.f32 v2, v1;
	v2 =	vld [tilespmem:s4+$0x2220];
	v6 =	vxor.u32 $0x80000000, v3;
	s7 =	spop (v2sf)  }
0xca: {  	v3 =	vld [tilespmem:s4+$0x2320];
	v5 =	vnsel vm2, $0xFFFFFFFF, v6;
	s4 =	sxor.u32 $0x80000000, s7  }
0xcb: {  	(xrf0) =	vmin.scan.msk.u32 $0xffff, v5;
	v4, _, _ =	vpop (xrf0);
	p2 =	slt.s32 s5, s4  }
0xcc: {  	(v2sf) =	vpush v4, $0xF;
	s4 =	smov.u32 @p2 s5  }
0xcd: {  	_ =	sdelay $0x1  }
0xce: {  	vm2 =	veq.f32 v2, v1;
	v1 =	vxor.u32 $0x80000000, v3  }
0xcf: {  	v1 =	vnsel vm2, $0xFFFFFFFF, v1  }
0xd0: {  	(xrf0) =	vmin.scan.msk.u32 $0xffff, v1;
	_ =	sdelay $0x3  }
0xd1: {  	v1, _, _ =	vpop (xrf0)  }
0xd2: {  	(v2sf) =	vpush v1, $0xF  }
0xd3: {  	v1, _, _ =	vpop (xrf0)  }
0xd4: {  	(v2sf) =	vpush v1, $0xF;
	_ =	sdelay $0x6  }
0xd5: {  	s2 =	spop (v2sf)  }
0xd6: {  	s2 =	sxor.u32 $0x80000000, s2  }
0xd7: {  	s5 =	spop (v2sf);
	p1 =	slt.s32 s4, s2  }
0xd8: {  	s2 =	smov.u32 @p1 s4;
	s4 =	sxor.u32 $0x80000000, s5  }
0xd9: {  	p1 =	slt.s32 s2, s4;
	s31 =	spop (v2sf)  }
0xda: {  	s4 =	smov.u32 @p1 s2;
	s2 =	sxor.u32 $0x80000000, s31  }
0xdb: {  	p1 =	slt.s32 s4, s2;
	s7 =	spop (v2sf)  }
0xdc: {  	s2 =	smov.u32 @p1 s4;
	s5 =	sxor.u32 $0x80000000, s7  }
0xdd: {  	p1 =	slt.s32 s2, s5;
	s13 =	spop (v2sf)  }
0xde: {  	s5 =	smov.u32 @p1 s2;
	s4 =	sxor.u32 $0x80000000, s13  }
0xdf: {  	vm6 =	vmmov vm3;
	s31 =	simm.s32 $0x0;
	p1 =	slt.s32 s5, s4  }
0xe0: {  	vm7 =	vmmov vm0;
	vm3 =	vmmov vm1;
	vm1 =	vcmask $0xB08;
	v4 =	vld [tilespmem:s31+$0x2320];
	s4 =	smov.u32 @p1 s5  }
0xe1: {  	v2 =	vimm.f32 $-1.000000000e+00;
	v3 =	vimm.s32 $0x0;
	v5 =	vld [tilespmem:s31+$0x2220];
	s2 =	simm.s32 $0x40;
	v1 =	vmov s4  }
.LBB2_11:
0xe2: {  	_ = 	snop  }
0xe3: {  	p1 =	sne.s32 s2, $0x3C0  }
.Ltmp7:
0xe4: {  	_ = 	snop;
	(pc) =	sbr.rel @p1 .LBB2_11-.Ltmp7, $4  }
0xe5: {  	vm2 =	veq.s32 v4, v1  }
0xe6: {  	s5 =	sshra.s32 s2, $0x2;
	v7 =	vsel vm2, $0xBF800000, v5  }
0xe7: {  	v6 =	vmov v4;
	v4 =	vld [tilespmem:s5+$0x2320];
	vm2 =	vgt.f32 v7, v2  }
0xe8: {  	s2 =	sadd.s32 $0x40, s2;
	v5 =	vld [tilespmem:s5+$0x2220];
	v2 =	vsel vm2, v7, v2;
	v3 =	vsel vm2, v6, v3  }
0xe9: {  	_ =	sdelay $0x2  }
0xea: {  	vm2 =	veq.s32 v4, v1  }
0xeb: {  	v5 =	vsel vm2, $0xBF800000, v5  }
0xec: {  	vm2 =	vgt.f32 v5, v2  }
0xed: {  	v5 =	vsel vm2, v5, v2  }
0xee: {  	(xrf0) =	vmax.scan.msk.f32 $0xffff, v5;
	_ =	sdelay $0x5  }
0xef: {  	v2, _, _ =	vpop (xrf0)  }
0xf0: {  	v2 =	vbroadcast v2, $0xF  }
0xf1: {  	v3 =	vsel vm2, v4, v3  }
0xf2: {  	v3 =	vxor.u32 $0x80000000, v3;
	vm2 =	veq.f32 v5, v2  }
0xf3: {  	v3 =	vnsel vm2, $0xFFFFFFFF, v3  }
0xf4: {  	(xrf0) =	vmin.scan.msk.u32 $0xffff, v3;
	_ =	sdelay $0x4  }
0xf5: {  	s7 =	simm.s32 $0x10  }
0xf6: {  	s31 =	simm.s32 $0x0;
	v6 =	vld [tilespmem:s7+$0x2220];
	v3, _, _ =	vpop (xrf0)  }
0xf7: {  	(v2sf) =	vpush v3, $0xF;
	v3 =	vld [tilespmem:s31+$0x2320]  }
0xf8: {  	v4 =	vld [tilespmem:s31+$0x2220]  }
0xf9: {  	s13 =	simm.s32 $0x20;
	v5 =	vld [tilespmem:s7+$0x2320]  }
0xfa: {  	v7 =	vld [tilespmem:s13+$0x2320]  }
0xfb: {  	v8 =	vld [tilespmem:s13+$0x2220]  }
0xfc: {  	vm2 =	veq.s32 v3, v1  }
0xfd: {  	v4 =	vsel vm2, $0xBF800000, v4  }
0xfe: {  	vm4 =	veq.s32 v5, v1;
	v3 =	vxor.u32 $0x80000000, v3;
	vm2 =	veq.f32 v4, v2  }
0xff: {  	v4 =	vsel vm4, $0xBF800000, v6;
	v3 =	vnsel vm2, $0xFFFFFFFF, v3;
	vm2 =	veq.s32 v7, v1  }
0x100: {  	v6 =	vsel vm2, $0xBF800000, v8;
	vm2 =	veq.f32 v4, v2;
	v4 =	vxor.u32 $0x80000000, v5;
	(xrf0) =	vmin.scan.msk.u32 $0xffff, v3  }
0x101: {  	v5 =	vxor.u32 $0x80000000, v7;
	v3 =	vnsel vm2, $0xFFFFFFFF, v4;
	vm2 =	veq.f32 v6, v2  }
0x102: {  	(xrf0) =	vmin.scan.msk.u32 $0xffff, v3;
	v5 =	vnsel vm2, $0xFFFFFFFF, v5  }
0x103: {  	(xrf0) =	vmin.scan.msk.u32 $0xffff, v5;
	_ =	sdelay $0x2  }
0x104: {  	v5, _, _ =	vpop (xrf0)  }
0x105: {  	s31 =	simm.s32 $0x30;
	s2 =	spop (v2sf);
	(v2sf) =	vpush v5, $0xF  }
0x106: {  	v4 =	vld [tilespmem:s31+$0x2320];
	v5, _, _ =	vpop (xrf0)  }
0x107: {  	v3 =	vld [tilespmem:s31+$0x2220];
	(v2sf) =	vpush v5, $0xF;
	v6, _, _ =	vpop (xrf0)  }
0x108: {  	(v2sf) =	vpush v6, $0xF;
	_ =	sdelay $0x2  }
0x109: {  	vm2 =	veq.s32 v4, v1  }
0x10a: {  	s7 =	simm.s32 $0x40;
	v3 =	vsel vm2, $0xBF800000, v3  }
0x10b: {  	v4 =	vxor.u32 $0x80000000, v4;
	vm2 =	veq.f32 v3, v2;
	v3 =	vld [tilespmem:s7+$0x2320]  }
0x10c: {  	v5 =	vnsel vm2, $0xFFFFFFFF, v4;
	v4 =	vld [tilespmem:s7+$0x2220];
	_ =	sdelay $0x1  }
0x10d: {  	vm0 =	vmxor vm0, vm0;
	s5 =	sxor.u32 $0x80000000, s2;
	s2 =	simm.s32 $0x140;
	(xrf0) =	vmin.scan.msk.u32 $0xffff, v5  }
.LBB2_13:
0x10e: {  	s7 =	smov.u32 s5  }
0x10f: {  	s5 =	sshra.s32 s2, $0x2;
	p1 =	seq.s32 s2, $0x3C0;
	s2 =	sadd.s32 $0x40, s2;
	vm2 =	veq.s32 v3, v1;
	v5 =	vmov v3  }
.Ltmp8:
0x110: {  	v6 =	vsel vm2, $0xBF800000, v4;
	v3 =	vld [tilespmem:s5+$0x2320];
	(pc) =	sbr.rel @!p1 .LBB2_13-.Ltmp8, $4  }
0x111: {  	v7 =	vxor.u32 $0x80000000, v5;
	vm2 =	veq.f32 v6, v2;
	v4 =	vld [tilespmem:s5+$0x2220];
	s5 =	spop (v2sf)  }
0x112: {  	v6 =	vnsel vm2, $0xFFFFFFFF, v7;
	s5 =	sxor.u32 $0x80000000, s5  }
0x113: {  	(xrf0) =	vmin.scan.msk.u32 $0xffff, v6;
	v5, _, _ =	vpop (xrf0);
	p2 =	slt.s32 s7, s5  }
0x114: {  	(v2sf) =	vpush v5, $0xF;
	s5 =	smov.u32 @p2 s7  }
0x115: {  	vm2 =	veq.s32 v3, v1  }
0x116: {  	v4 =	vsel vm2, $0xBF800000, v4  }
0x117: {  	vm2 =	veq.f32 v4, v2;
	v2 =	vxor.u32 $0x80000000, v3  }
0x118: {  	v2 =	vnsel vm2, $0xFFFFFFFF, v2  }
0x119: {  	(xrf0) =	vmin.scan.msk.u32 $0xffff, v2;
	_ =	sdelay $0x3  }
0x11a: {  	v2, _, _ =	vpop (xrf0)  }
0x11b: {  	(v2sf) =	vpush v2, $0xF  }
0x11c: {  	v2, _, _ =	vpop (xrf0)  }
0x11d: {  	(v2sf) =	vpush v2, $0xF;
	_ =	sdelay $0x6  }
0x11e: {  	s2 =	spop (v2sf)  }
0x11f: {  	s2 =	sxor.u32 $0x80000000, s2  }
0x120: {  	s7 =	spop (v2sf);
	p1 =	slt.s32 s5, s2  }
0x121: {  	s2 =	smov.u32 @p1 s5;
	s5 =	sxor.u32 $0x80000000, s7  }
0x122: {  	p1 =	slt.s32 s2, s5;
	s13 =	spop (v2sf)  }
0x123: {  	s5 =	smov.u32 @p1 s2;
	s2 =	sxor.u32 $0x80000000, s13  }
0x124: {  	p1 =	slt.s32 s5, s2;
	s31 =	spop (v2sf)  }
0x125: {  	s2 =	smov.u32 @p1 s5;
	s5 =	sxor.u32 $0x80000000, s31  }
0x126: {  	s31 =	simm.s32 $0x0;
	p1 =	slt.s32 s2, s5;
	s13 =	spop (v2sf)  }
0x127: {  	v5 =	vld [tilespmem:s31+$0x2320];
	s5 =	smov.u32 @p1 s2;
	s2 =	sxor.u32 $0x80000000, s13  }
0x128: {  	p1 =	slt.s32 s5, s2  }
0x129: {  	v6 =	vld [tilespmem:s31+$0x2220];
	s2 =	smov.u32 @p1 s5  }
0x12a: {  	v3 =	vimm.f32 $-1.000000000e+00;
	v4 =	vimm.s32 $0x0;
	v2 =	vmov s2;
	s2 =	simm.s32 $0x40  }
.LBB2_15:
0x12b: {  	p1 =	sne.s32 s2, $0x3C0  }
.Ltmp9:
0x12c: {  	s5 =	sshra.s32 s2, $0x2;
	s2 =	sadd.s32 $0x40, s2;
	vm2 =	veq.s32 v5, v1;
	vm4 =	veq.s32 v5, v2;
	v7 =	vmov v5;
	(pc) =	sbr.rel @p1 .LBB2_15-.Ltmp9, $4  }
0x12d: {  	v5 =	vld [tilespmem:s5+$0x2320];
	vm2 =	vmor vm4, vm2  }
0x12e: {  	v8 =	vsel vm2, $0xBF800000, v6  }
0x12f: {  	v6 =	vld [tilespmem:s5+$0x2220];
	vm2 =	vgt.f32 v8, v3  }
0x130: {  	v3 =	vsel vm2, v8, v3;
	v4 =	vsel vm2, v7, v4  }
0x131: {  	_ = 	snop  }
0x132: {  	vm2 =	veq.s32 v5, v1;
	vm4 =	veq.s32 v5, v2  }
0x133: {  	vm2 =	vmor vm4, vm2  }
0x134: {  	v6 =	vsel vm2, $0xBF800000, v6  }
0x135: {  	vm2 =	vgt.f32 v6, v3  }
0x136: {  	v6 =	vsel vm2, v6, v3  }
0x137: {  	(xrf0) =	vmax.scan.msk.f32 $0xffff, v6;
	_ =	sdelay $0x1  }
0x138: {  	s2 =	simm.s32 $0x0  }
0x139: {  	v7 =	vld [tilespmem:s2+$0x2320];
	_ =	sdelay $0x1  }
0x13a: {  	v8 =	vld [tilespmem:s2+$0x2220]  }
0x13b: {  	v3, _, _ =	vpop (xrf0)  }
0x13c: {  	v3 =	vbroadcast v3, $0xF  }
0x13d: {  	v4 =	vsel vm2, v5, v4;
	vm4 =	veq.s32 v7, v1;
	vm5 =	veq.s32 v7, v2  }
0x13e: {  	v4 =	vxor.u32 $0x80000000, v4;
	vm2 =	vmor vm5, vm4;
	vm4 =	veq.f32 v6, v3  }
0x13f: {  	v5 =	vsel vm2, $0xBF800000, v8;
	v4 =	vnsel vm4, $0xFFFFFFFF, v4  }
0x140: {  	vm2 =	veq.f32 v5, v3;
	v5 =	vxor.u32 $0x80000000, v7;
	(xrf0) =	vmin.scan.msk.u32 $0xffff, v4  }
0x141: {  	v4 =	vnsel vm2, $0xFFFFFFFF, v5  }
0x142: {  	(xrf0) =	vmin.scan.msk.u32 $0xffff, v4  }
0x143: {  	s13 =	simm.s32 $0x10  }
0x144: {  	v4 =	vld [tilespmem:s13+$0x2320];
	_ =	sdelay $0x1  }
0x145: {  	s5 =	simm.s32 $0x20;
	v5 =	vld [tilespmem:s13+$0x2220];
	v6, _, _ =	vpop (xrf0)  }
0x146: {  	(v2sf) =	vpush v6, $0xF;
	v6 =	vld [tilespmem:s5+$0x2320]  }
0x147: {  	v7, _, _ =	vpop (xrf0)  }
0x148: {  	vm2 =	veq.s32 v4, v1;
	vm4 =	veq.s32 v4, v2;
	(v2sf) =	vpush v7, $0xF;
	v7 =	vld [tilespmem:s5+$0x2220]  }
0x149: {  	vm2 =	vmor vm4, vm2  }
0x14a: {  	v4 =	vxor.u32 $0x80000000, v4;
	v5 =	vsel vm2, $0xBF800000, v5  }
0x14b: {  	vm2 =	veq.f32 v5, v3;
	vm4 =	veq.s32 v6, v1;
	vm5 =	veq.s32 v6, v2  }
0x14c: {  	v4 =	vnsel vm2, $0xFFFFFFFF, v4;
	vm2 =	vmor vm5, vm4  }
0x14d: {  	v5 =	vsel vm2, $0xBF800000, v7  }
0x14e: {  	vm2 =	veq.f32 v5, v3;
	v5 =	vxor.u32 $0x80000000, v6  }
0x14f: {  	(xrf0) =	vmin.scan.msk.u32 $0xffff, v4;
	v5 =	vnsel vm2, $0xFFFFFFFF, v5  }
0x150: {  	s7 =	simm.s32 $0x30;
	(xrf0) =	vmin.scan.msk.u32 $0xffff, v5  }
0x151: {  	v4 =	vld [tilespmem:s7+$0x2320]  }
0x152: {  	s5 =	simm.s32 $0x40;
	v7 =	vld [tilespmem:s7+$0x2220]  }
0x153: {  	v6 =	vld [tilespmem:s5+$0x2320];
	_ =	sdelay $0x1  }
0x154: {  	v8, _, _ =	vpop (xrf0)  }
0x155: {  	vm2 =	veq.s32 v4, v1;
	vm4 =	veq.s32 v4, v2;
	(v2sf) =	vpush v8, $0xF;
	v8, _, _ =	vpop (xrf0)  }
0x156: {  	vm2 =	vmor vm4, vm2;
	s13 =	spop (v2sf);
	(v2sf) =	vpush v8, $0xF  }
0x157: {  	v5 =	vld [tilespmem:s5+$0x2220];
	v7 =	vsel vm2, $0xBF800000, v7;
	vm4 =	veq.s32 v6, v1;
	vm5 =	veq.s32 v6, v2  }
0x158: {  	v4 =	vxor.u32 $0x80000000, v4;
	vm2 =	vmor vm5, vm4;
	vm4 =	veq.f32 v7, v3  }
0x159: {  	v7 =	vnsel vm4, $0xFFFFFFFF, v4  }
0x15a: {  	(xrf0) =	vmin.scan.msk.u32 $0xffff, v7  }
0x15b: {  	s7 =	simm.s32 $0x50  }
0x15c: {  	v5 =	vsel vm2, $0xBF800000, v5;
	v4 =	vld [tilespmem:s7+$0x2320]  }
0x15d: {  	v6 =	vxor.u32 $0x80000000, v6;
	vm2 =	veq.f32 v5, v3;
	s31 =	spop (v2sf)  }
0x15e: {  	s2 =	simm.s32 $0x180;
	s5 =	sxor.u32 $0x80000000, s13;
	v5 =	vld [tilespmem:s7+$0x2220];
	v6 =	vnsel vm2, $0xFFFFFFFF, v6;
	s31 =	sxor.u32 $0x80000000, s31  }
.LBB2_17:
0x15f: {  	s7 =	smov.u32 s5;
	s13 =	sshra.s32 s2, $0x2  }
0x160: {  	p2 =	slt.s32 s5, s31;
	p1 =	sne.s32 s2, $0x3C0;
	s5 =	smov.u32 s31;
	(xrf0) =	vmin.scan.msk.u32 $0xffff, v6;
	v6, _, _ =	vpop (xrf0)  }
.Ltmp10:
0x161: {  	s2 =	sadd.s32 $0x40, s2;
	vm2 =	veq.s32 v4, v1;
	vm4 =	veq.s32 v4, v2;
	s5 =	smov.u32 @p2 s7;
	(v2sf) =	vpush v6, $0xF;
	(pc) =	sbr.rel @p1 .LBB2_17-.Ltmp10, $4  }
0x162: {  	vm2 =	vmor vm4, vm2;
	v6 =	vmov v4;
	v4 =	vld [tilespmem:s13+$0x2320]  }
0x163: {  	v7 =	vsel vm2, $0xBF800000, v5  }
0x164: {  	v6 =	vxor.u32 $0x80000000, v6;
	vm2 =	veq.f32 v7, v3;
	v5 =	vld [tilespmem:s13+$0x2220];
	s7 =	spop (v2sf)  }
0x165: {  	v6 =	vnsel vm2, $0xFFFFFFFF, v6;
	s31 =	sxor.u32 $0x80000000, s7  }
0x166: {  	_ = 	snop  }
0x167: {  	vm2 =	veq.s32 v4, v1;
	vm4 =	veq.s32 v4, v2  }
0x168: {  	vm2 =	vmor vm4, vm2  }
0x169: {  	v1 =	vsel vm2, $0xBF800000, v5  }
0x16a: {  	(xrf0) =	vmin.scan.msk.u32 $0xffff, v6;
	vm2 =	veq.f32 v1, v3;
	v1 =	vxor.u32 $0x80000000, v4  }
0x16b: {  	v1 =	vnsel vm2, $0xFFFFFFFF, v1  }
0x16c: {  	(xrf0) =	vmin.scan.msk.u32 $0xffff, v1;
	_ =	sdelay $0x1  }
0x16d: {  	v1, _, _ =	vpop (xrf0)  }
0x16e: {  	(v2sf) =	vpush v1, $0xF  }
0x16f: {  	v1, _, _ =	vpop (xrf0)  }
0x170: {  	(v2sf) =	vpush v1, $0xF  }
0x171: {  	v1, _, _ =	vpop (xrf0)  }
0x172: {  	(v2sf) =	vpush v1, $0xF;
	_ =	sdelay $0x6  }
0x173: {  	s2 =	spop (v2sf);
	p1 =	slt.s32 s5, s31  }
0x174: {  	s31 =	smov.u32 @p1 s5;
	s2 =	sxor.u32 $0x80000000, s2  }
0x175: {  	p1 =	slt.s32 s31, s2;
	s7 =	spop (v2sf)  }
0x176: {  	s2 =	smov.u32 @p1 s31;
	s5 =	sxor.u32 $0x80000000, s7  }
0x177: {  	p1 =	slt.s32 s2, s5;
	s7 =	spop (v2sf)  }
0x178: {  	s5 =	smov.u32 @p1 s2;
	s2 =	sxor.u32 $0x80000000, s7  }
0x179: {  	s13 =	spop (v2sf);
	p1 =	slt.s32 s5, s2  }
0x17a: {  	s2 =	smov.u32 @p1 s5;
	s5 =	sxor.u32 $0x80000000, s13  }
0x17b: {  	p1 =	slt.s32 s2, s5;
	s13 =	spop (v2sf)  }
0x17c: {  	s5 =	smov.u32 @p1 s2;
	s2 =	sxor.u32 $0x80000000, s13  }
0x17d: {  	p1 =	slt.s32 s5, s2  }
0x17e: {  	s2 =	smov.u32 @p1 s5  }
0x17f: {  	v1 =	vmov s2  }
0x180: {  	v1 =	vnsel vm1, $0x0, v1  }
0x181: {  	vm2 =	veq.s32 v0, $0x0;
	v1 =	vsel vm6, v1, v2  }
0x182: {  	s13 =	rddreg [dreg:$0x1];
	s5 =	simm.s32 $0x0;
	v1 =	vsel vm2, s4, v1  }
0x183: {  	[tilespmem:s6], [sflag:$0x2] =	stream.linear.gather [hbm4b:s13+s5], $0x2000, $0x38;
	[tilespmem:$0x12520] =	vst v63  }
0x184: {  	_ =	swait.ge [sflag:s30], $0x2000  }
0x185: {  	v3 =	vsel vm1, s2, v0;
	[sflag:s30] =	ssyncset.done $0x0  }
0x186: {  	v2 =	vsel vm6, v3, v2;
	[sflag:s30] =	ssyncadd.s32 $0xFFFFE000  }
0x187: {  	v2 =	vsel vm2, s4, v2;
	v1 =	vld.idx.msk [tilespmem:v1+s6+$0x0], $0xffff  }
0x188: {  	v3 =	vshll.u32 v2, $0x5  }
0x189: {  	v61 =	vand.u32 $0x7, v2;
	v3 =	vand.u32 $0xFFFFFF00, v3  }
0x18a: {  	v62 =	vand.u32 $0x7, v0;
	v63 =	vshrl.u32 v0, $0x3;
	v3 =	vor.u32 v61, v3  }
0x18b: {  	v5 =	vmul.u32 $0x8, v63;
	v4 =	vperm.xlane v3, v62  }
0x18c: {  	s7 =	simm.s32 $0x124A0;
	s4 =	rddreg [dreg:$0x4];
	[tilespmem:$0x124A0] =	vst v1  }
0x18d: {  	v1 =	vadd.s32 v5, v4;
	[hbm4b:s4+s5] =	stream.linear.scatter [tilespmem:s7], [sflag:$0x2], $0x80, $0x38;
	[tilespmem:$0x12520] =	vst v63  }
0x18e: {  	_ =	swait.ge [sflag:s30], $0x80  }
0x18f: {  	[sflag:s30] =	ssyncset.done $0x0  }
0x190: {  	[sflag:s30] =	ssyncadd.s32 $0xFFFFFF80  }
0x191: {  	vm4 =	vmmov $0xffff;
	s4 =	simm.s32 $0x24A0;
	[tilespmem:$0x2420] =	vst v2;
	s2 =	rddreg [dreg:$0x2]  }
0x192: {  	[tilespmem:s4], [sflag:$0x1] =	stream.indirect_vreg.gather [hbm4b:s2+s5], $0x80, v1, vm4, $0xb8;
	[tilespmem:$0x12520] =	vst v63  }
0x193: {  	s13 =	simm.s32 $0x2CA0;
	s7 =	rddreg [dreg:$0x8]  }
0x194: {  	[tilespmem:s13], [sflag:$0x1] =	stream.indirect_vreg.gather [hbm4b:s7+s5], $0x80, v1, vm4, $0xb8;
	[tilespmem:$0x12520] =	vst v63  }
0x195: {  	s13 =	simm.s32 $0x34A0  }
0x196: {  	[tilespmem:s13], [sflag:$0x1] =	stream.indirect_vreg.gather [hbm4b:s14+s5], $0x80, v1, vm4, $0xb8;
	[tilespmem:$0x12520] =	vst v63  }
0x197: {  	s13 =	simm.s32 $0x3CA0  }
0x198: {  	[tilespmem:s13], [sflag:$0x1] =	stream.indirect_vreg.gather [hbm4b:s15+s5], $0x80, v1, vm4, $0xb8;
	[tilespmem:$0x12520] =	vst v63  }
0x199: {  	s13 =	simm.s32 $0x44A0  }
0x19a: {  	[tilespmem:s13], [sflag:$0x1] =	stream.indirect_vreg.gather [hbm4b:s16+s5], $0x80, v1, vm4, $0xb8;
	[tilespmem:$0x12520] =	vst v63  }
0x19b: {  	s13 =	simm.s32 $0x4CA0  }
0x19c: {  	[tilespmem:s13], [sflag:$0x1] =	stream.indirect_vreg.gather [hbm4b:s17+s5], $0x80, v1, vm4, $0xb8;
	[tilespmem:$0x12520] =	vst v63  }
0x19d: {  	s13 =	simm.s32 $0x54A0  }
0x19e: {  	[tilespmem:s13], [sflag:$0x1] =	stream.indirect_vreg.gather [hbm4b:s18+s5], $0x80, v1, vm4, $0xb8;
	[tilespmem:$0x12520] =	vst v63  }
0x19f: {  	s13 =	simm.s32 $0x5CA0  }
0x1a0: {  	[tilespmem:s13], [sflag:$0x1] =	stream.indirect_vreg.gather [hbm4b:s19+s5], $0x80, v1, vm4, $0xb8;
	[tilespmem:$0x12520] =	vst v63  }
0x1a1: {  	s13 =	simm.s32 $0x64A0  }
0x1a2: {  	[tilespmem:s13], [sflag:$0x1] =	stream.indirect_vreg.gather [hbm4b:s20+s5], $0x80, v1, vm4, $0xb8;
	[tilespmem:$0x12520] =	vst v63  }
0x1a3: {  	s13 =	simm.s32 $0x6CA0  }
0x1a4: {  	[tilespmem:s13], [sflag:$0x1] =	stream.indirect_vreg.gather [hbm4b:s21+s5], $0x80, v1, vm4, $0xb8;
	[tilespmem:$0x12520] =	vst v63  }
0x1a5: {  	s13 =	simm.s32 $0x74A0  }
0x1a6: {  	[tilespmem:s13], [sflag:$0x1] =	stream.indirect_vreg.gather [hbm4b:s22+s5], $0x80, v1, vm4, $0xb8;
	[tilespmem:$0x12520] =	vst v63  }
0x1a7: {  	s13 =	simm.s32 $0x7CA0  }
0x1a8: {  	[tilespmem:s13], [sflag:$0x1] =	stream.indirect_vreg.gather [hbm4b:s23+s5], $0x80, v1, vm4, $0xb8;
	[tilespmem:$0x12520] =	vst v63  }
0x1a9: {  	s13 =	simm.s32 $0x84A0  }
0x1aa: {  	v2 =	vor.u32 $0x8, v0;
	[tilespmem:s13], [sflag:$0x1] =	stream.indirect_vreg.gather [hbm4b:s24+s5], $0x80, v1, vm4, $0xb8;
	[tilespmem:$0x12520] =	vst v63  }
0x1ab: {  	v2 =	vperm.xlane v3, v2;
	s13 =	simm.s32 $0x8CA0  }
0x1ac: {  	[tilespmem:s13], [sflag:$0x1] =	stream.indirect_vreg.gather [hbm4b:s26+s5], $0x80, v1, vm4, $0xb8;
	[tilespmem:$0x12520] =	vst v63  }
0x1ad: {  	v2 =	vadd.s32 v5, v2;
	s13 =	simm.s32 $0x94A0  }
0x1ae: {  	[tilespmem:s13], [sflag:$0x1] =	stream.indirect_vreg.gather [hbm4b:s28+s5], $0x80, v1, vm4, $0xb8;
	[tilespmem:$0x12520] =	vst v63  }
0x1af: {  	s13 =	simm.s32 $0x9CA0  }
0x1b0: {  	[tilespmem:s13], [sflag:$0x1] =	stream.indirect_vreg.gather [hbm4b:s29+s5], $0x80, v1, vm4, $0xb8;
	[tilespmem:$0x12520] =	vst v63  }
0x1b1: {  	s13 =	simm.s32 $0xA4A0  }
0x1b2: {  	[tilespmem:s13], [sflag:$0x1] =	stream.indirect_vreg.gather [hbm4b:s2+s5], $0x80, v2, vm4, $0xb8;
	[tilespmem:$0x12520] =	vst v63  }
0x1b3: {  	s13 =	simm.s32 $0xACA0  }
0x1b4: {  	[tilespmem:s13], [sflag:$0x1] =	stream.indirect_vreg.gather [hbm4b:s7+s5], $0x80, v2, vm4, $0xb8;
	[tilespmem:$0x12520] =	vst v63  }
0x1b5: {  	s13 =	simm.s32 $0xB4A0  }
0x1b6: {  	[tilespmem:s13], [sflag:$0x1] =	stream.indirect_vreg.gather [hbm4b:s14+s5], $0x80, v2, vm4, $0xb8;
	[tilespmem:$0x12520] =	vst v63  }
0x1b7: {  	s7 =	simm.s32 $0xBCA0  }
0x1b8: {  	[tilespmem:s7], [sflag:$0x1] =	stream.indirect_vreg.gather [hbm4b:s15+s5], $0x80, v2, vm4, $0xb8;
	[tilespmem:$0x12520] =	vst v63  }
0x1b9: {  	s13 =	simm.s32 $0xC4A0  }
0x1ba: {  	[tilespmem:s13], [sflag:$0x1] =	stream.indirect_vreg.gather [hbm4b:s16+s5], $0x80, v2, vm4, $0xb8;
	[tilespmem:$0x12520] =	vst v63  }
0x1bb: {  	s7 =	simm.s32 $0xCCA0  }
0x1bc: {  	[tilespmem:s7], [sflag:$0x1] =	stream.indirect_vreg.gather [hbm4b:s17+s5], $0x80, v2, vm4, $0xb8;
	[tilespmem:$0x12520] =	vst v63  }
0x1bd: {  	s13 =	simm.s32 $0xD4A0  }
0x1be: {  	[tilespmem:s13], [sflag:$0x1] =	stream.indirect_vreg.gather [hbm4b:s18+s5], $0x80, v2, vm4, $0xb8;
	[tilespmem:$0x12520] =	vst v63  }
0x1bf: {  	s7 =	simm.s32 $0xDCA0  }
0x1c0: {  	[tilespmem:s7], [sflag:$0x1] =	stream.indirect_vreg.gather [hbm4b:s19+s5], $0x80, v2, vm4, $0xb8;
	[tilespmem:$0x12520] =	vst v63  }
0x1c1: {  	s13 =	simm.s32 $0xE4A0  }
0x1c2: {  	[tilespmem:s13], [sflag:$0x1] =	stream.indirect_vreg.gather [hbm4b:s20+s5], $0x80, v2, vm4, $0xb8;
	[tilespmem:$0x12520] =	vst v63  }
0x1c3: {  	s7 =	simm.s32 $0xECA0  }
0x1c4: {  	[tilespmem:s7], [sflag:$0x1] =	stream.indirect_vreg.gather [hbm4b:s21+s5], $0x80, v2, vm4, $0xb8;
	[tilespmem:$0x12520] =	vst v63  }
0x1c5: {  	s13 =	simm.s32 $0xF4A0  }
0x1c6: {  	[tilespmem:s13], [sflag:$0x1] =	stream.indirect_vreg.gather [hbm4b:s22+s5], $0x80, v2, vm4, $0xb8;
	[tilespmem:$0x12520] =	vst v63  }
0x1c7: {  	s7 =	simm.s32 $0xFCA0  }
0x1c8: {  	[tilespmem:s7], [sflag:$0x1] =	stream.indirect_vreg.gather [hbm4b:s23+s5], $0x80, v2, vm4, $0xb8;
	[tilespmem:$0x12520] =	vst v63  }
0x1c9: {  	s13 =	simm.s32 $0x104A0  }
0x1ca: {  	[tilespmem:s13], [sflag:$0x1] =	stream.indirect_vreg.gather [hbm4b:s24+s5], $0x80, v2, vm4, $0xb8;
	[tilespmem:$0x12520] =	vst v63  }
0x1cb: {  	s7 =	simm.s32 $0x10CA0  }
0x1cc: {  	[tilespmem:s7], [sflag:$0x1] =	stream.indirect_vreg.gather [hbm4b:s26+s5], $0x80, v2, vm4, $0xb8;
	[tilespmem:$0x12520] =	vst v63  }
0x1cd: {  	s13 =	simm.s32 $0x114A0  }
0x1ce: {  	[tilespmem:s13], [sflag:$0x1] =	stream.indirect_vreg.gather [hbm4b:s28+s5], $0x80, v2, vm4, $0xb8;
	[tilespmem:$0x12520] =	vst v63  }
0x1cf: {  	s7 =	simm.s32 $0x11CA0;
	s13 =	simm.s32 $0x1  }
0x1d0: {  	[tilespmem:s7], [sflag:$0x1] =	stream.indirect_vreg.gather [hbm4b:s29+s5], $0x80, v2, vm4, $0xb8;
	[tilespmem:$0x12520] =	vst v63  }
0x1d1: {  	_ =	swait.ge [sflag:s13], $0x10000  }
0x1d2: {  	s31 =	simm.s32 $0x24A0;
	s2 =	simm.s32 $0x40;
	[sflag:s13] =	ssyncset.done $0x0  }
0x1d3: {  	s7 =	sadd.s32 $0x0, s3;
	s5 =	simm.s32 $0x28A0;
	[sflag:s13] =	ssyncadd.s32 $0xFFFF0000  }
.LBB2_19:
0x1d4: {  	[hbm4b:s7+s6] =	stream.strided.scatter [tilespmem:s31], [sflag:$0x2], $0x0, s0, s6, $0x38;
	[tilespmem:$0x12520] =	vst v63  }
0x1d5: {  	s7 =	smov.u32 s2;
	s31 =	smov.u32 s5;
	p1 =	sne.s32 s2, $0x7C0  }
.Ltmp11:
0x1d6: {  	s2 =	sadd.s32 $0x40, s2;
	(pc) =	sbr.rel @p1 .LBB2_19-.Ltmp11, $2  }
0x1d7: {  	_ =	sdelay $0x2  }
0x1d8: {  	s5 =	sadd.s32 $0x400, s5;
	s7 =	sadd.s32 s7, s3  }
0x1d9: {  	v1 =	vld [tilespmem:$0x1FFF0];
	_ =	sdelay $0x3  }
0x1da: {  	[hbm4b:s7+s6] =	stream.strided.scatter [tilespmem:s31], [sflag:$0x2], $0x0, s0, s6, $0x38;
	[tilespmem:$0x12520] =	vst v63  }
0x1db: {  	s2 =	simm.s32 $0x40;
	s7 =	sadd.s32 $0x0, s3;
	s5 =	simm.s32 $0x28A0;
	vm2 =	vnez.u8 v1  }
.LBB2_21:
0x1dc: {  	[hbm4b:s7+s8] =	stream.linear.scatter [tilespmem:s4], [sflag:$0x2], $0x180, $0x38;
	[tilespmem:$0x12520] =	vst v63  }
0x1dd: {  	s7 =	smov.u32 s2;
	s4 =	smov.u32 s5;
	p1 =	sne.s32 s2, $0x7C0  }
.Ltmp12:
0x1de: {  	s2 =	sadd.s32 $0x40, s2;
	(pc) =	sbr.rel @p1 .LBB2_21-.Ltmp12, $2  }
0x1df: {  	_ =	sdelay $0x2  }
0x1e0: {  	s5 =	sadd.s32 $0x400, s5;
	s7 =	sadd.s32 s7, s3  }
.Ltmp13:
0x1e1: {  	_ = 	snop;
	(pc) =	sbr.rel .LBB2_22-.Ltmp13, $1  }
0x1e2: {  	_ =	sdelay $0x3  }
.LBB2_24:
0x1e3: {  	_ =	sfence.sel $0x180000  }
0x1e4: {  	[bflag:$0x0] =	sbarrier.arrive $0xFFFF  }
0x1e5: {  	_ =	strace $0x90000047  }
0x1e6: {  	s0 =	stileid.u32;
	[bflag:$0x2] =	sbarrier.arrive $0xFFFF  }
0x1e7: {  	p0 =	sne.s32 s0, $0x0;
	s0 =	rddreg [dreg:$0x7]  }
0x1e8: {  	s0 =	sadd.s32 @!p0 $0x100000, s0  }
0x1e9: {  	[sflag:s0] =	ssyncadd.tile.s32 @!p0 $0x1;
	_ =	shalt  }
.Lfunc_end2:
_tile_overlayer_lowered:
.L_overlay_start_2:
0x1ea: {  	(tag) =	ssettag $0x2  }
0x1eb: {  	s0 =	rddreg [dreg:$0x0];
	s2 =	stileid.u32  }
0x1ec: {  	s1 =	rddreg [dreg:$0x1];
	p0 =	sne.s32 s2, $0x0  }
0x1ed: {  	s3 =	rddreg [dreg:$0x2];
	[bflag:$0x3] =	sbarrier.arrive $0xFFFF;
	s2 =	simm.s32 @!p0 $0x1C02  }
0x1ee: {  	[timem:s3], [sflag:s2] =	dma.local @!p0 [hbm:s0], s1  }
0x1ef: {  	s0 =	simm.s32 @!p0 $0x2  }
0x1f0: {  	_ =	swait.ge @!p0 [sflag:s0], s1  }
0x1f1: {  	s1 =	ssub.s32 @!p0 $0x0, s1;
	[sflag:s0] =	ssyncset.done @!p0 $0x0  }
0x1f2: {  	[sflag:s0] =	ssyncadd.s32 @!p0 s1  }
0x1f3: {  	[bflag:$0x3] =	sbarrier.arrive $0xFFFF  }
0x1f4: {  	_ =	shalt  }

</sc_bundles>
